<compile_context>
chip_gen: v7x
topology: tpu7x:2x2x1
jax: 0.10.2.dev20260603
libtpu: 0.0.44.dev20260713+nightly
codegen_flags: <defaults>
</compile_context>

<pallas_src>
import functools

import jax
import jax.numpy as jnp
from jax import lax
from jax.experimental import pallas as pl
from jax.experimental.pallas import tpu as pltpu
from jax.experimental.pallas import tpu_sc as plsc

N_EXP = 8
BLK_T = 2048
NC = 2
NS = 16
NW = NC * NS
LANES = 16


def _mm_kernel(x_ref, w_ref, st_ref):
    st_ref[...] = jax.lax.dot_general(
        w_ref[...], x_ref[...], (((1,), (1,)), ((), ())),
        preferred_element_type=jnp.float32,
    )


def _scores_t(x, W):
    n_tokens, dim = x.shape
    return pl.pallas_call(
        _mm_kernel,
        grid=(n_tokens // BLK_T,),
        in_specs=[
            pl.BlockSpec((BLK_T, dim), lambda i: (i, 0)),
            pl.BlockSpec((N_EXP, dim), lambda i: (0, 0)),
        ],
        out_specs=pl.BlockSpec((N_EXP, BLK_T), lambda i: (0, i)),
        out_shape=jax.ShapeDtypeStruct((N_EXP, n_tokens), jnp.float32),
    )(x, W)


def _make_route(n_tokens):
    chunk = n_tokens // NW

    @functools.partial(
        pl.kernel,
        mesh=plsc.VectorSubcoreMesh(core_axis_name="c", subcore_axis_name="s"),
        out_type=[
            jax.ShapeDtypeStruct((n_tokens,), jnp.float32),
            jax.ShapeDtypeStruct((n_tokens,), jnp.float32),
            jax.ShapeDtypeStruct((n_tokens,), jnp.int32),
            jax.ShapeDtypeStruct((n_tokens,), jnp.int32),
        ],
        scratch_types=[
            pltpu.VMEM((N_EXP, chunk), jnp.float32),
            pltpu.VMEM((2, chunk), jnp.float32),
            pltpu.VMEM((2, chunk), jnp.int32),
            pltpu.SemaphoreType.DMA,
            pltpu.SemaphoreType.DMA,
        ],
    )
    def route(st_hbm, w1_hbm, w2_hbm, i1_hbm, i2_hbm, s_v, w_v, i_v,
              in_sem, out_sem):
        wid = lax.axis_index("s") * NC + lax.axis_index("c")
        base = wid * chunk
        copies = [
            pltpu.async_copy(
                st_hbm.at[pl.ds(e * n_tokens + base, chunk)], s_v.at[e], in_sem
            )
            for e in range(N_EXP)
        ]
        for c in copies:
            c.wait()

        def body(t, _):
            off = t * LANES
            vs = [s_v[e, pl.ds(off, LANES)] for e in range(N_EXP)]
            m1 = vs[0]
            i1 = jnp.zeros((LANES,), jnp.int32)
            m2 = jnp.full((LANES,), -jnp.inf, jnp.float32)
            i2 = jnp.zeros((LANES,), jnp.int32)
            for e in range(1, N_EXP):
                v = vs[e]
                ev = jnp.full((LANES,), e, jnp.int32)
                gt1 = v > m1
                gt2 = v > m2
                m2n = jnp.where(gt1, m1, jnp.where(gt2, v, m2))
                i2n = jnp.where(gt1, i1, jnp.where(gt2, ev, i2))
                m1 = jnp.where(gt1, v, m1)
                i1 = jnp.where(gt1, ev, i1)
                m2, i2 = m2n, i2n
            denom = jnp.zeros((LANES,), jnp.float32)
            for e in range(N_EXP):
                denom = denom + jnp.exp(vs[e] - m1)
            w1 = 1.0 / denom
            w2 = jnp.exp(m2 - m1) * w1
            sl = pl.ds(off, LANES)
            w_v[0, sl] = w1
            w_v[1, sl] = w2
            i_v[0, sl] = i1
            i_v[1, sl] = i2
            return 0

        lax.fori_loop(0, chunk // LANES, body, 0)
        rows = pl.ds(base, chunk)
        outs = [
            pltpu.async_copy(w_v.at[0], w1_hbm.at[rows], out_sem),
            pltpu.async_copy(w_v.at[1], w2_hbm.at[rows], out_sem),
            pltpu.async_copy(i_v.at[0], i1_hbm.at[rows], out_sem),
            pltpu.async_copy(i_v.at[1], i2_hbm.at[rows], out_sem),
        ]
        for c in outs:
            c.wait()

    return route


@jax.jit
def kernel(x, W):
    n_tokens, _ = x.shape
    st = _scores_t(x, W)
    w1, w2, i1, i2 = _make_route(n_tokens)(st.reshape(-1))
    return jnp.stack([w1, w2], axis=1), jnp.stack([i1, i2], axis=1)

# --- scband reference (transcript-rebuilt; emitter-appended) ---
"""Pipeline reference for scband-gate-68324339745448 (READ-ONLY COPY).

The authoritative reference and input builder live on the scoring server;
editing this copy changes nothing except your own understanding.
"""

import jax, jax.numpy as jnp
import numpy as np

N_EXPERTS = 8
TOPK = 2
ROUTE_SCALE = 1.0
DIM = 2048
N_TOKENS = 32768

def setup_inputs(seed: int = 0) -> dict:
    key = jax.random.key(seed)
    k1, k2 = jax.random.split(key)
    x = jax.random.normal(k1, (N_TOKENS, DIM), dtype=jnp.float32)
    # xavier_uniform with gain 1/sqrt(2), matching the torch Linear init
    limit = (6.0 / (N_EXPERTS + DIM)) ** 0.5 / (2.0 ** 0.5)
    W = jax.random.uniform(k2, (N_EXPERTS, DIM), dtype=jnp.float32, minval=-limit, maxval=limit)
    return {"x": x, "W": W}

def reference(x, W):
    # Gate.forward: scores = linear(x, weight); softmax scoring; top-k routing
    scores = x @ W.T
    scores = jax.nn.softmax(scores.astype(jnp.float32), axis=-1)
    original_scores = scores
    # n_expert_groups == 1 -> no group masking branch
    _, indices = jax.lax.top_k(scores, TOPK)
    weights = jnp.take_along_axis(original_scores, indices, axis=1)
    # score_func == softmax -> no sigmoid renormalization
    weights = weights * ROUTE_SCALE
    return weights.astype(x.dtype), indices

if __name__ == "__main__":
    import jax
    _d = setup_inputs()
    print(jax.jit(kernel)(*tuple(_d.values())))

</pallas_src>

<mosaic_0001>
#map = affine_map<(d0, d1) -> (0)>
module attributes {stable_mosaic.version = 14 : i64} {
  func.func @route(%arg0: i32, %arg1: i32, %arg2: memref<262144xf32, #tpu.memory_space<hbm>>, %arg3: memref<32768xf32, #tpu.memory_space<hbm>>, %arg4: memref<32768xf32, #tpu.memory_space<hbm>>, %arg5: memref<32768xi32, #tpu.memory_space<hbm>>, %arg6: memref<32768xi32, #tpu.memory_space<hbm>>, %arg7: memref<8x1024xf32, #tpu.memory_space<vmem>>, %arg8: memref<2x1024xf32, #tpu.memory_space<vmem>>, %arg9: memref<2x1024xi32, #tpu.memory_space<vmem>>, %arg10: memref<!tpu.dma_semaphore, #tpu.memory_space<semaphore_mem>>, %arg11: memref<!tpu.dma_semaphore, #tpu.memory_space<semaphore_mem>>) attributes {dimension_semantics = [#tpu.dimension_semantics<core_parallel>, #tpu.dimension_semantics<subcore_parallel>], iteration_bounds = array<i64: 2, 16>, scalar_prefetch = 0 : i64, scratch_operands = 5 : i64, tpu.core_type = #tpu.core_type<sc_vector_subcore>, window_params = [{transform_indices = #map}, {transform_indices = #map}, {transform_indices = #map}, {transform_indices = #map}, {transform_indices = #map}]} {
    %mul3A = arith.constant 2 : i32
    %mul3A_0 = arith.muli %arg1, %mul3A : i32
    %add3A = arith.addi %mul3A_0, %arg0 : i32
    %mul3A_1 = arith.constant 1024 : i32
    %mul3A_2 = arith.muli %add3A, %mul3A_1 : i32
    %add3A_3 = arith.constant 0 : i32
    %add3A_4 = arith.addi %add3A_3, %mul3A_2 : i32
    %dma_start3A = arith.constant 0 : i32
    %dma_start3A_5 = arith.constant 0 : i32
    %dma_start3A_6 = tpu.memref_slice %arg7[%dma_start3A, %dma_start3A_5] : memref<8x1024xf32, #tpu.memory_space<vmem>> -> memref<1x1024xf32, #tpu.memory_space<vmem>>
    %dma_start3A_7 = tpu.memref_squeeze %dma_start3A_6 : memref<1x1024xf32, #tpu.memory_space<vmem>> -> memref<1024xf32, #tpu.memory_space<vmem>>
    %dma_start3A_8 = tpu.memref_slice %arg2[%add3A_4] : memref<262144xf32, #tpu.memory_space<hbm>> -> memref<1024xf32, #tpu.memory_space<hbm>>
    %dma_start3A_9 = arith.constant 0 : i32
    %dma_start3A_10 = tpu.memref_slice %arg7[%dma_start3A, %dma_start3A_9] : memref<8x1024xf32, #tpu.memory_space<vmem>> -> memref<1x1024xf32, #tpu.memory_space<vmem>>
    %dma_start3A_11 = tpu.memref_squeeze %dma_start3A_10 : memref<1x1024xf32, #tpu.memory_space<vmem>> -> memref<1024xf32, #tpu.memory_space<vmem>>
    %dma_start3A_12 = tpu.memref_slice %arg2[%add3A_4] : memref<262144xf32, #tpu.memory_space<hbm>> -> memref<1024xf32, #tpu.memory_space<hbm>>
    tpu.enqueue_dma source(%dma_start3A_12 : memref<1024xf32, #tpu.memory_space<hbm>>) target(%dma_start3A_11 : memref<1024xf32, #tpu.memory_space<vmem>>) target_semaphore(%arg10 : memref<!tpu.dma_semaphore, #tpu.memory_space<semaphore_mem>>)
    %add3A_13 = arith.constant 32768 : i32
    %add3A_14 = arith.addi %add3A_13, %mul3A_2 : i32
    %dma_start3A_15 = arith.constant 1 : i32
    %dma_start3A_16 = arith.constant 0 : i32
    %dma_start3A_17 = tpu.memref_slice %arg7[%dma_start3A_15, %dma_start3A_16] : memref<8x1024xf32, #tpu.memory_space<vmem>> -> memref<1x1024xf32, #tpu.memory_space<vmem>>
    %dma_start3A_18 = tpu.memref_squeeze %dma_start3A_17 : memref<1x1024xf32, #tpu.memory_space<vmem>> -> memref<1024xf32, #tpu.memory_space<vmem>>
    %dma_start3A_19 = tpu.memref_slice %arg2[%add3A_14] : memref<262144xf32, #tpu.memory_space<hbm>> -> memref<1024xf32, #tpu.memory_space<hbm>>
    %dma_start3A_20 = arith.constant 0 : i32
    %dma_start3A_21 = tpu.memref_slice %arg7[%dma_start3A_15, %dma_start3A_20] : memref<8x1024xf32, #tpu.memory_space<vmem>> -> memref<1x1024xf32, #tpu.memory_space<vmem>>
    %dma_start3A_22 = tpu.memref_squeeze %dma_start3A_21 : memref<1x1024xf32, #tpu.memory_space<vmem>> -> memref<1024xf32, #tpu.memory_space<vmem>>
    %dma_start3A_23 = tpu.memref_slice %arg2[%add3A_14] : memref<262144xf32, #tpu.memory_space<hbm>> -> memref<1024xf32, #tpu.memory_space<hbm>>
    tpu.enqueue_dma source(%dma_start3A_23 : memref<1024xf32, #tpu.memory_space<hbm>>) target(%dma_start3A_22 : memref<1024xf32, #tpu.memory_space<vmem>>) target_semaphore(%arg10 : memref<!tpu.dma_semaphore, #tpu.memory_space<semaphore_mem>>)
    %add3A_24 = arith.constant 65536 : i32
    %add3A_25 = arith.addi %add3A_24, %mul3A_2 : i32
    %dma_start3A_26 = arith.constant 2 : i32
    %dma_start3A_27 = arith.constant 0 : i32
    %dma_start3A_28 = tpu.memref_slice %arg7[%dma_start3A_26, %dma_start3A_27] : memref<8x1024xf32, #tpu.memory_space<vmem>> -> memref<1x1024xf32, #tpu.memory_space<vmem>>
    %dma_start3A_29 = tpu.memref_squeeze %dma_start3A_28 : memref<1x1024xf32, #tpu.memory_space<vmem>> -> memref<1024xf32, #tpu.memory_space<vmem>>
    %dma_start3A_30 = tpu.memref_slice %arg2[%add3A_25] : memref<262144xf32, #tpu.memory_space<hbm>> -> memref<1024xf32, #tpu.memory_space<hbm>>
    %dma_start3A_31 = arith.constant 0 : i32
    %dma_start3A_32 = tpu.memref_slice %arg7[%dma_start3A_26, %dma_start3A_31] : memref<8x1024xf32, #tpu.memory_space<vmem>> -> memref<1x1024xf32, #tpu.memory_space<vmem>>
    %dma_start3A_33 = tpu.memref_squeeze %dma_start3A_32 : memref<1x1024xf32, #tpu.memory_space<vmem>> -> memref<1024xf32, #tpu.memory_space<vmem>>
    %dma_start3A_34 = tpu.memref_slice %arg2[%add3A_25] : memref<262144xf32, #tpu.memory_space<hbm>> -> memref<1024xf32, #tpu.memory_space<hbm>>
    tpu.enqueue_dma source(%dma_start3A_34 : memref<1024xf32, #tpu.memory_space<hbm>>) target(%dma_start3A_33 : memref<1024xf32, #tpu.memory_space<vmem>>) target_semaphore(%arg10 : memref<!tpu.dma_semaphore, #tpu.memory_space<semaphore_mem>>)
    %add3A_35 = arith.constant 98304 : i32
    %add3A_36 = arith.addi %add3A_35, %mul3A_2 : i32
    %dma_start3A_37 = arith.constant 3 : i32
    %dma_start3A_38 = arith.constant 0 : i32
    %dma_start3A_39 = tpu.memref_slice %arg7[%dma_start3A_37, %dma_start3A_38] : memref<8x1024xf32, #tpu.memory_space<vmem>> -> memref<1x1024xf32, #tpu.memory_space<vmem>>
    %dma_start3A_40 = tpu.memref_squeeze %dma_start3A_39 : memref<1x1024xf32, #tpu.memory_space<vmem>> -> memref<1024xf32, #tpu.memory_space<vmem>>
    %dma_start3A_41 = tpu.memref_slice %arg2[%add3A_36] : memref<262144xf32, #tpu.memory_space<hbm>> -> memref<1024xf32, #tpu.memory_space<hbm>>
    %dma_start3A_42 = arith.constant 0 : i32
    %dma_start3A_43 = tpu.memref_slice %arg7[%dma_start3A_37, %dma_start3A_42] : memref<8x1024xf32, #tpu.memory_space<vmem>> -> memref<1x1024xf32, #tpu.memory_space<vmem>>
    %dma_start3A_44 = tpu.memref_squeeze %dma_start3A_43 : memref<1x1024xf32, #tpu.memory_space<vmem>> -> memref<1024xf32, #tpu.memory_space<vmem>>
    %dma_start3A_45 = tpu.memref_slice %arg2[%add3A_36] : memref<262144xf32, #tpu.memory_space<hbm>> -> memref<1024xf32, #tpu.memory_space<hbm>>
    tpu.enqueue_dma source(%dma_start3A_45 : memref<1024xf32, #tpu.memory_space<hbm>>) target(%dma_start3A_44 : memref<1024xf32, #tpu.memory_space<vmem>>) target_semaphore(%arg10 : memref<!tpu.dma_semaphore, #tpu.memory_space<semaphore_mem>>)
    %add3A_46 = arith.constant 131072 : i32
    %add3A_47 = arith.addi %add3A_46, %mul3A_2 : i32
    %dma_start3A_48 = arith.constant 4 : i32
    %dma_start3A_49 = arith.constant 0 : i32
    %dma_start3A_50 = tpu.memref_slice %arg7[%dma_start3A_48, %dma_start3A_49] : memref<8x1024xf32, #tpu.memory_space<vmem>> -> memref<1x1024xf32, #tpu.memory_space<vmem>>
    %dma_start3A_51 = tpu.memref_squeeze %dma_start3A_50 : memref<1x1024xf32, #tpu.memory_space<vmem>> -> memref<1024xf32, #tpu.memory_space<vmem>>
    %dma_start3A_52 = tpu.memref_slice %arg2[%add3A_47] : memref<262144xf32, #tpu.memory_space<hbm>> -> memref<1024xf32, #tpu.memory_space<hbm>>
    %dma_start3A_53 = arith.constant 0 : i32
    %dma_start3A_54 = tpu.memref_slice %arg7[%dma_start3A_48, %dma_start3A_53] : memref<8x1024xf32, #tpu.memory_space<vmem>> -> memref<1x1024xf32, #tpu.memory_space<vmem>>
    %dma_start3A_55 = tpu.memref_squeeze %dma_start3A_54 : memref<1x1024xf32, #tpu.memory_space<vmem>> -> memref<1024xf32, #tpu.memory_space<vmem>>
    %dma_start3A_56 = tpu.memref_slice %arg2[%add3A_47] : memref<262144xf32, #tpu.memory_space<hbm>> -> memref<1024xf32, #tpu.memory_space<hbm>>
    tpu.enqueue_dma source(%dma_start3A_56 : memref<1024xf32, #tpu.memory_space<hbm>>) target(%dma_start3A_55 : memref<1024xf32, #tpu.memory_space<vmem>>) target_semaphore(%arg10 : memref<!tpu.dma_semaphore, #tpu.memory_space<semaphore_mem>>)
    %add3A_57 = arith.constant 163840 : i32
    %add3A_58 = arith.addi %add3A_57, %mul3A_2 : i32
    %dma_start3A_59 = arith.constant 5 : i32
    %dma_start3A_60 = arith.constant 0 : i32
    %dma_start3A_61 = tpu.memref_slice %arg7[%dma_start3A_59, %dma_start3A_60] : memref<8x1024xf32, #tpu.memory_space<vmem>> -> memref<1x1024xf32, #tpu.memory_space<vmem>>
    %dma_start3A_62 = tpu.memref_squeeze %dma_start3A_61 : memref<1x1024xf32, #tpu.memory_space<vmem>> -> memref<1024xf32, #tpu.memory_space<vmem>>
    %dma_start3A_63 = tpu.memref_slice %arg2[%add3A_58] : memref<262144xf32, #tpu.memory_space<hbm>> -> memref<1024xf32, #tpu.memory_space<hbm>>
    %dma_start3A_64 = arith.constant 0 : i32
    %dma_start3A_65 = tpu.memref_slice %arg7[%dma_start3A_59, %dma_start3A_64] : memref<8x1024xf32, #tpu.memory_space<vmem>> -> memref<1x1024xf32, #tpu.memory_space<vmem>>
    %dma_start3A_66 = tpu.memref_squeeze %dma_start3A_65 : memref<1x1024xf32, #tpu.memory_space<vmem>> -> memref<1024xf32, #tpu.memory_space<vmem>>
    %dma_start3A_67 = tpu.memref_slice %arg2[%add3A_58] : memref<262144xf32, #tpu.memory_space<hbm>> -> memref<1024xf32, #tpu.memory_space<hbm>>
    tpu.enqueue_dma source(%dma_start3A_67 : memref<1024xf32, #tpu.memory_space<hbm>>) target(%dma_start3A_66 : memref<1024xf32, #tpu.memory_space<vmem>>) target_semaphore(%arg10 : memref<!tpu.dma_semaphore, #tpu.memory_space<semaphore_mem>>)
    %add3A_68 = arith.constant 196608 : i32
    %add3A_69 = arith.addi %add3A_68, %mul3A_2 : i32
    %dma_start3A_70 = arith.constant 6 : i32
    %dma_start3A_71 = arith.constant 0 : i32
    %dma_start3A_72 = tpu.memref_slice %arg7[%dma_start3A_70, %dma_start3A_71] : memref<8x1024xf32, #tpu.memory_space<vmem>> -> memref<1x1024xf32, #tpu.memory_space<vmem>>
    %dma_start3A_73 = tpu.memref_squeeze %dma_start3A_72 : memref<1x1024xf32, #tpu.memory_space<vmem>> -> memref<1024xf32, #tpu.memory_space<vmem>>
    %dma_start3A_74 = tpu.memref_slice %arg2[%add3A_69] : memref<262144xf32, #tpu.memory_space<hbm>> -> memref<1024xf32, #tpu.memory_space<hbm>>
    %dma_start3A_75 = arith.constant 0 : i32
    %dma_start3A_76 = tpu.memref_slice %arg7[%dma_start3A_70, %dma_start3A_75] : memref<8x1024xf32, #tpu.memory_space<vmem>> -> memref<1x1024xf32, #tpu.memory_space<vmem>>
    %dma_start3A_77 = tpu.memref_squeeze %dma_start3A_76 : memref<1x1024xf32, #tpu.memory_space<vmem>> -> memref<1024xf32, #tpu.memory_space<vmem>>
    %dma_start3A_78 = tpu.memref_slice %arg2[%add3A_69] : memref<262144xf32, #tpu.memory_space<hbm>> -> memref<1024xf32, #tpu.memory_space<hbm>>
    tpu.enqueue_dma source(%dma_start3A_78 : memref<1024xf32, #tpu.memory_space<hbm>>) target(%dma_start3A_77 : memref<1024xf32, #tpu.memory_space<vmem>>) target_semaphore(%arg10 : memref<!tpu.dma_semaphore, #tpu.memory_space<semaphore_mem>>)
    %add3A_79 = arith.constant 229376 : i32
    %add3A_80 = arith.addi %add3A_79, %mul3A_2 : i32
    %dma_start3A_81 = arith.constant 7 : i32
    %dma_start3A_82 = arith.constant 0 : i32
    %dma_start3A_83 = tpu.memref_slice %arg7[%dma_start3A_81, %dma_start3A_82] : memref<8x1024xf32, #tpu.memory_space<vmem>> -> memref<1x1024xf32, #tpu.memory_space<vmem>>
    %dma_start3A_84 = tpu.memref_squeeze %dma_start3A_83 : memref<1x1024xf32, #tpu.memory_space<vmem>> -> memref<1024xf32, #tpu.memory_space<vmem>>
    %dma_start3A_85 = tpu.memref_slice %arg2[%add3A_80] : memref<262144xf32, #tpu.memory_space<hbm>> -> memref<1024xf32, #tpu.memory_space<hbm>>
    %dma_start3A_86 = arith.constant 0 : i32
    %dma_start3A_87 = tpu.memref_slice %arg7[%dma_start3A_81, %dma_start3A_86] : memref<8x1024xf32, #tpu.memory_space<vmem>> -> memref<1x1024xf32, #tpu.memory_space<vmem>>
    %dma_start3A_88 = tpu.memref_squeeze %dma_start3A_87 : memref<1x1024xf32, #tpu.memory_space<vmem>> -> memref<1024xf32, #tpu.memory_space<vmem>>
    %dma_start3A_89 = tpu.memref_slice %arg2[%add3A_80] : memref<262144xf32, #tpu.memory_space<hbm>> -> memref<1024xf32, #tpu.memory_space<hbm>>
    tpu.enqueue_dma source(%dma_start3A_89 : memref<1024xf32, #tpu.memory_space<hbm>>) target(%dma_start3A_88 : memref<1024xf32, #tpu.memory_space<vmem>>) target_semaphore(%arg10 : memref<!tpu.dma_semaphore, #tpu.memory_space<semaphore_mem>>)
    %dma_wait3A = arith.constant 0 : i32
    %dma_wait3A_90 = arith.constant 0 : i32
    %dma_wait3A_91 = tpu.memref_slice %arg7[%dma_wait3A, %dma_wait3A_90] : memref<8x1024xf32, #tpu.memory_space<vmem>> -> memref<1x1024xf32, #tpu.memory_space<vmem>>
    %dma_wait3A_92 = tpu.memref_squeeze %dma_wait3A_91 : memref<1x1024xf32, #tpu.memory_space<vmem>> -> memref<1024xf32, #tpu.memory_space<vmem>>
    %dma_wait3A_93 = tpu.memref_slice %arg2[%add3A_4] : memref<262144xf32, #tpu.memory_space<hbm>> -> memref<1024xf32, #tpu.memory_space<hbm>>
    %dma_wait3A_94 = arith.constant 0 : i32
    %dma_wait3A_95 = tpu.memref_slice %arg7[%dma_wait3A, %dma_wait3A_94] : memref<8x1024xf32, #tpu.memory_space<vmem>> -> memref<1x1024xf32, #tpu.memory_space<vmem>>
    %dma_wait3A_96 = tpu.memref_squeeze %dma_wait3A_95 : memref<1x1024xf32, #tpu.memory_space<vmem>> -> memref<1024xf32, #tpu.memory_space<vmem>>
    %dma_wait3A_97 = tpu.memref_slice %arg2[%add3A_4] : memref<262144xf32, #tpu.memory_space<hbm>> -> memref<1024xf32, #tpu.memory_space<hbm>>
    tpu.wait_dma2 semaphore(%arg10 : memref<!tpu.dma_semaphore, #tpu.memory_space<semaphore_mem>>) src(%dma_wait3A_97 : memref<1024xf32, #tpu.memory_space<hbm>>) dst(%dma_wait3A_96 : memref<1024xf32, #tpu.memory_space<vmem>>)
    %dma_wait3A_98 = arith.constant 1 : i32
    %dma_wait3A_99 = arith.constant 0 : i32
    %dma_wait3A_100 = tpu.memref_slice %arg7[%dma_wait3A_98, %dma_wait3A_99] : memref<8x1024xf32, #tpu.memory_space<vmem>> -> memref<1x1024xf32, #tpu.memory_space<vmem>>
    %dma_wait3A_101 = tpu.memref_squeeze %dma_wait3A_100 : memref<1x1024xf32, #tpu.memory_space<vmem>> -> memref<1024xf32, #tpu.memory_space<vmem>>
    %dma_wait3A_102 = tpu.memref_slice %arg2[%add3A_14] : memref<262144xf32, #tpu.memory_space<hbm>> -> memref<1024xf32, #tpu.memory_space<hbm>>
    %dma_wait3A_103 = arith.constant 0 : i32
    %dma_wait3A_104 = tpu.memref_slice %arg7[%dma_wait3A_98, %dma_wait3A_103] : memref<8x1024xf32, #tpu.memory_space<vmem>> -> memref<1x1024xf32, #tpu.memory_space<vmem>>
    %dma_wait3A_105 = tpu.memref_squeeze %dma_wait3A_104 : memref<1x1024xf32, #tpu.memory_space<vmem>> -> memref<1024xf32, #tpu.memory_space<vmem>>
    %dma_wait3A_106 = tpu.memref_slice %arg2[%add3A_14] : memref<262144xf32, #tpu.memory_space<hbm>> -> memref<1024xf32, #tpu.memory_space<hbm>>
    tpu.wait_dma2 semaphore(%arg10 : memref<!tpu.dma_semaphore, #tpu.memory_space<semaphore_mem>>) src(%dma_wait3A_106 : memref<1024xf32, #tpu.memory_space<hbm>>) dst(%dma_wait3A_105 : memref<1024xf32, #tpu.memory_space<vmem>>)
    %dma_wait3A_107 = arith.constant 2 : i32
    %dma_wait3A_108 = arith.constant 0 : i32
    %dma_wait3A_109 = tpu.memref_slice %arg7[%dma_wait3A_107, %dma_wait3A_108] : memref<8x1024xf32, #tpu.memory_space<vmem>> -> memref<1x1024xf32, #tpu.memory_space<vmem>>
    %dma_wait3A_110 = tpu.memref_squeeze %dma_wait3A_109 : memref<1x1024xf32, #tpu.memory_space<vmem>> -> memref<1024xf32, #tpu.memory_space<vmem>>
    %dma_wait3A_111 = tpu.memref_slice %arg2[%add3A_25] : memref<262144xf32, #tpu.memory_space<hbm>> -> memref<1024xf32, #tpu.memory_space<hbm>>
    %dma_wait3A_112 = arith.constant 0 : i32
    %dma_wait3A_113 = tpu.memref_slice %arg7[%dma_wait3A_107, %dma_wait3A_112] : memref<8x1024xf32, #tpu.memory_space<vmem>> -> memref<1x1024xf32, #tpu.memory_space<vmem>>
    %dma_wait3A_114 = tpu.memref_squeeze %dma_wait3A_113 : memref<1x1024xf32, #tpu.memory_space<vmem>> -> memref<1024xf32, #tpu.memory_space<vmem>>
    %dma_wait3A_115 = tpu.memref_slice %arg2[%add3A_25] : memref<262144xf32, #tpu.memory_space<hbm>> -> memref<1024xf32, #tpu.memory_space<hbm>>
    tpu.wait_dma2 semaphore(%arg10 : memref<!tpu.dma_semaphore, #tpu.memory_space<semaphore_mem>>) src(%dma_wait3A_115 : memref<1024xf32, #tpu.memory_space<hbm>>) dst(%dma_wait3A_114 : memref<1024xf32, #tpu.memory_space<vmem>>)
    %dma_wait3A_116 = arith.constant 3 : i32
    %dma_wait3A_117 = arith.constant 0 : i32
    %dma_wait3A_118 = tpu.memref_slice %arg7[%dma_wait3A_116, %dma_wait3A_117] : memref<8x1024xf32, #tpu.memory_space<vmem>> -> memref<1x1024xf32, #tpu.memory_space<vmem>>
    %dma_wait3A_119 = tpu.memref_squeeze %dma_wait3A_118 : memref<1x1024xf32, #tpu.memory_space<vmem>> -> memref<1024xf32, #tpu.memory_space<vmem>>
    %dma_wait3A_120 = tpu.memref_slice %arg2[%add3A_36] : memref<262144xf32, #tpu.memory_space<hbm>> -> memref<1024xf32, #tpu.memory_space<hbm>>
    %dma_wait3A_121 = arith.constant 0 : i32
    %dma_wait3A_122 = tpu.memref_slice %arg7[%dma_wait3A_116, %dma_wait3A_121] : memref<8x1024xf32, #tpu.memory_space<vmem>> -> memref<1x1024xf32, #tpu.memory_space<vmem>>
    %dma_wait3A_123 = tpu.memref_squeeze %dma_wait3A_122 : memref<1x1024xf32, #tpu.memory_space<vmem>> -> memref<1024xf32, #tpu.memory_space<vmem>>
    %dma_wait3A_124 = tpu.memref_slice %arg2[%add3A_36] : memref<262144xf32, #tpu.memory_space<hbm>> -> memref<1024xf32, #tpu.memory_space<hbm>>
    tpu.wait_dma2 semaphore(%arg10 : memref<!tpu.dma_semaphore, #tpu.memory_space<semaphore_mem>>) src(%dma_wait3A_124 : memref<1024xf32, #tpu.memory_space<hbm>>) dst(%dma_wait3A_123 : memref<1024xf32, #tpu.memory_space<vmem>>)
    %dma_wait3A_125 = arith.constant 4 : i32
    %dma_wait3A_126 = arith.constant 0 : i32
    %dma_wait3A_127 = tpu.memref_slice %arg7[%dma_wait3A_125, %dma_wait3A_126] : memref<8x1024xf32, #tpu.memory_space<vmem>> -> memref<1x1024xf32, #tpu.memory_space<vmem>>
    %dma_wait3A_128 = tpu.memref_squeeze %dma_wait3A_127 : memref<1x1024xf32, #tpu.memory_space<vmem>> -> memref<1024xf32, #tpu.memory_space<vmem>>
    %dma_wait3A_129 = tpu.memref_slice %arg2[%add3A_47] : memref<262144xf32, #tpu.memory_space<hbm>> -> memref<1024xf32, #tpu.memory_space<hbm>>
    %dma_wait3A_130 = arith.constant 0 : i32
    %dma_wait3A_131 = tpu.memref_slice %arg7[%dma_wait3A_125, %dma_wait3A_130] : memref<8x1024xf32, #tpu.memory_space<vmem>> -> memref<1x1024xf32, #tpu.memory_space<vmem>>
    %dma_wait3A_132 = tpu.memref_squeeze %dma_wait3A_131 : memref<1x1024xf32, #tpu.memory_space<vmem>> -> memref<1024xf32, #tpu.memory_space<vmem>>
    %dma_wait3A_133 = tpu.memref_slice %arg2[%add3A_47] : memref<262144xf32, #tpu.memory_space<hbm>> -> memref<1024xf32, #tpu.memory_space<hbm>>
    tpu.wait_dma2 semaphore(%arg10 : memref<!tpu.dma_semaphore, #tpu.memory_space<semaphore_mem>>) src(%dma_wait3A_133 : memref<1024xf32, #tpu.memory_space<hbm>>) dst(%dma_wait3A_132 : memref<1024xf32, #tpu.memory_space<vmem>>)
    %dma_wait3A_134 = arith.constant 5 : i32
    %dma_wait3A_135 = arith.constant 0 : i32
    %dma_wait3A_136 = tpu.memref_slice %arg7[%dma_wait3A_134, %dma_wait3A_135] : memref<8x1024xf32, #tpu.memory_space<vmem>> -> memref<1x1024xf32, #tpu.memory_space<vmem>>
    %dma_wait3A_137 = tpu.memref_squeeze %dma_wait3A_136 : memref<1x1024xf32, #tpu.memory_space<vmem>> -> memref<1024xf32, #tpu.memory_space<vmem>>
    %dma_wait3A_138 = tpu.memref_slice %arg2[%add3A_58] : memref<262144xf32, #tpu.memory_space<hbm>> -> memref<1024xf32, #tpu.memory_space<hbm>>
    %dma_wait3A_139 = arith.constant 0 : i32
    %dma_wait3A_140 = tpu.memref_slice %arg7[%dma_wait3A_134, %dma_wait3A_139] : memref<8x1024xf32, #tpu.memory_space<vmem>> -> memref<1x1024xf32, #tpu.memory_space<vmem>>
    %dma_wait3A_141 = tpu.memref_squeeze %dma_wait3A_140 : memref<1x1024xf32, #tpu.memory_space<vmem>> -> memref<1024xf32, #tpu.memory_space<vmem>>
    %dma_wait3A_142 = tpu.memref_slice %arg2[%add3A_58] : memref<262144xf32, #tpu.memory_space<hbm>> -> memref<1024xf32, #tpu.memory_space<hbm>>
    tpu.wait_dma2 semaphore(%arg10 : memref<!tpu.dma_semaphore, #tpu.memory_space<semaphore_mem>>) src(%dma_wait3A_142 : memref<1024xf32, #tpu.memory_space<hbm>>) dst(%dma_wait3A_141 : memref<1024xf32, #tpu.memory_space<vmem>>)
    %dma_wait3A_143 = arith.constant 6 : i32
    %dma_wait3A_144 = arith.constant 0 : i32
    %dma_wait3A_145 = tpu.memref_slice %arg7[%dma_wait3A_143, %dma_wait3A_144] : memref<8x1024xf32, #tpu.memory_space<vmem>> -> memref<1x1024xf32, #tpu.memory_space<vmem>>
    %dma_wait3A_146 = tpu.memref_squeeze %dma_wait3A_145 : memref<1x1024xf32, #tpu.memory_space<vmem>> -> memref<1024xf32, #tpu.memory_space<vmem>>
    %dma_wait3A_147 = tpu.memref_slice %arg2[%add3A_69] : memref<262144xf32, #tpu.memory_space<hbm>> -> memref<1024xf32, #tpu.memory_space<hbm>>
    %dma_wait3A_148 = arith.constant 0 : i32
    %dma_wait3A_149 = tpu.memref_slice %arg7[%dma_wait3A_143, %dma_wait3A_148] : memref<8x1024xf32, #tpu.memory_space<vmem>> -> memref<1x1024xf32, #tpu.memory_space<vmem>>
    %dma_wait3A_150 = tpu.memref_squeeze %dma_wait3A_149 : memref<1x1024xf32, #tpu.memory_space<vmem>> -> memref<1024xf32, #tpu.memory_space<vmem>>
    %dma_wait3A_151 = tpu.memref_slice %arg2[%add3A_69] : memref<262144xf32, #tpu.memory_space<hbm>> -> memref<1024xf32, #tpu.memory_space<hbm>>
    tpu.wait_dma2 semaphore(%arg10 : memref<!tpu.dma_semaphore, #tpu.memory_space<semaphore_mem>>) src(%dma_wait3A_151 : memref<1024xf32, #tpu.memory_space<hbm>>) dst(%dma_wait3A_150 : memref<1024xf32, #tpu.memory_space<vmem>>)
    %dma_wait3A_152 = arith.constant 7 : i32
    %dma_wait3A_153 = arith.constant 0 : i32
    %dma_wait3A_154 = tpu.memref_slice %arg7[%dma_wait3A_152, %dma_wait3A_153] : memref<8x1024xf32, #tpu.memory_space<vmem>> -> memref<1x1024xf32, #tpu.memory_space<vmem>>
    %dma_wait3A_155 = tpu.memref_squeeze %dma_wait3A_154 : memref<1x1024xf32, #tpu.memory_space<vmem>> -> memref<1024xf32, #tpu.memory_space<vmem>>
    %dma_wait3A_156 = tpu.memref_slice %arg2[%add3A_80] : memref<262144xf32, #tpu.memory_space<hbm>> -> memref<1024xf32, #tpu.memory_space<hbm>>
    %dma_wait3A_157 = arith.constant 0 : i32
    %dma_wait3A_158 = tpu.memref_slice %arg7[%dma_wait3A_152, %dma_wait3A_157] : memref<8x1024xf32, #tpu.memory_space<vmem>> -> memref<1x1024xf32, #tpu.memory_space<vmem>>
    %dma_wait3A_159 = tpu.memref_squeeze %dma_wait3A_158 : memref<1x1024xf32, #tpu.memory_space<vmem>> -> memref<1024xf32, #tpu.memory_space<vmem>>
    %dma_wait3A_160 = tpu.memref_slice %arg2[%add3A_80] : memref<262144xf32, #tpu.memory_space<hbm>> -> memref<1024xf32, #tpu.memory_space<hbm>>
    tpu.wait_dma2 semaphore(%arg10 : memref<!tpu.dma_semaphore, #tpu.memory_space<semaphore_mem>>) src(%dma_wait3A_160 : memref<1024xf32, #tpu.memory_space<hbm>>) dst(%dma_wait3A_159 : memref<1024xf32, #tpu.memory_space<vmem>>)
    %scan3A = arith.constant 0 : i32
    %scan3A_161 = arith.constant 0 : i32
    %scan3A_162 = arith.constant 64 : i32
    %scan3A_163 = arith.addi %scan3A_161, %scan3A_162 : i32
    %scan3A_164 = arith.constant 1 : i32
    %scan3A_165 = scf.for %scan3A_239 = %scan3A_161 to %scan3A_163 step %scan3A_164 iter_args(%scan3A_240 = %scan3A) -> (i32)  : i32 {
      %mul3A_241 = arith.constant 16 : i32
      %mul3A_242 = arith.muli %scan3A_239, %mul3A_241 : i32
      %get3A = arith.constant 0 : i32
      %get3A_243 = arith.index_cast %get3A : i32 to index
      %get3A_244 = arith.index_cast %mul3A_242 : i32 to index
      %get3A_245 = tpu.vector_load %arg7[%get3A_243, %get3A_244] {strides = array<i32>} : memref<8x1024xf32, #tpu.memory_space<vmem>>, vector<1x16xf32>,
      %get3A_246 = vector.shape_cast %get3A_245 : vector<1x16xf32> to vector<16xf32>
      %get3A_247 = arith.constant 1 : i32
      %get3A_248 = arith.index_cast %get3A_247 : i32 to index
      %get3A_249 = arith.index_cast %mul3A_242 : i32 to index
      %get3A_250 = tpu.vector_load %arg7[%get3A_248, %get3A_249] {strides = array<i32>} : memref<8x1024xf32, #tpu.memory_space<vmem>>, vector<1x16xf32>,
      %get3A_251 = vector.shape_cast %get3A_250 : vector<1x16xf32> to vector<16xf32>
      %get3A_252 = arith.constant 2 : i32
      %get3A_253 = arith.index_cast %get3A_252 : i32 to index
      %get3A_254 = arith.index_cast %mul3A_242 : i32 to index
      %get3A_255 = tpu.vector_load %arg7[%get3A_253, %get3A_254] {strides = array<i32>} : memref<8x1024xf32, #tpu.memory_space<vmem>>, vector<1x16xf32>,
      %get3A_256 = vector.shape_cast %get3A_255 : vector<1x16xf32> to vector<16xf32>
      %get3A_257 = arith.constant 3 : i32
      %get3A_258 = arith.index_cast %get3A_257 : i32 to index
      %get3A_259 = arith.index_cast %mul3A_242 : i32 to index
      %get3A_260 = tpu.vector_load %arg7[%get3A_258, %get3A_259] {strides = array<i32>} : memref<8x1024xf32, #tpu.memory_space<vmem>>, vector<1x16xf32>,
      %get3A_261 = vector.shape_cast %get3A_260 : vector<1x16xf32> to vector<16xf32>
      %get3A_262 = arith.constant 4 : i32
      %get3A_263 = arith.index_cast %get3A_262 : i32 to index
      %get3A_264 = arith.index_cast %mul3A_242 : i32 to index
      %get3A_265 = tpu.vector_load %arg7[%get3A_263, %get3A_264] {strides = array<i32>} : memref<8x1024xf32, #tpu.memory_space<vmem>>, vector<1x16xf32>,
      %get3A_266 = vector.shape_cast %get3A_265 : vector<1x16xf32> to vector<16xf32>
      %get3A_267 = arith.constant 5 : i32
      %get3A_268 = arith.index_cast %get3A_267 : i32 to index
      %get3A_269 = arith.index_cast %mul3A_242 : i32 to index
      %get3A_270 = tpu.vector_load %arg7[%get3A_268, %get3A_269] {strides = array<i32>} : memref<8x1024xf32, #tpu.memory_space<vmem>>, vector<1x16xf32>,
      %get3A_271 = vector.shape_cast %get3A_270 : vector<1x16xf32> to vector<16xf32>
      %get3A_272 = arith.constant 6 : i32
      %get3A_273 = arith.index_cast %get3A_272 : i32 to index
      %get3A_274 = arith.index_cast %mul3A_242 : i32 to index
      %get3A_275 = tpu.vector_load %arg7[%get3A_273, %get3A_274] {strides = array<i32>} : memref<8x1024xf32, #tpu.memory_space<vmem>>, vector<1x16xf32>,
      %get3A_276 = vector.shape_cast %get3A_275 : vector<1x16xf32> to vector<16xf32>
      %get3A_277 = arith.constant 7 : i32
      %get3A_278 = arith.index_cast %get3A_277 : i32 to index
      %get3A_279 = arith.index_cast %mul3A_242 : i32 to index
      %get3A_280 = tpu.vector_load %arg7[%get3A_278, %get3A_279] {strides = array<i32>} : memref<8x1024xf32, #tpu.memory_space<vmem>>, vector<1x16xf32>,
      %get3A_281 = vector.shape_cast %get3A_280 : vector<1x16xf32> to vector<16xf32>
      %broadcast_in_dim3A = arith.constant 0 : i32
      %broadcast_in_dim3A_282 = vector.broadcast %broadcast_in_dim3A : i32 to vector<16xi32>
      %broadcast_in_dim3A_283 = arith.constant 0xFF800000 : f32
      %broadcast_in_dim3A_284 = vector.broadcast %broadcast_in_dim3A_283 : f32 to vector<16xf32>
      %broadcast_in_dim3A_285 = arith.constant 0 : i32
      %broadcast_in_dim3A_286 = vector.broadcast %broadcast_in_dim3A_285 : i32 to vector<16xi32>
      %broadcast_in_dim3A_287 = arith.constant 1 : i32
      %broadcast_in_dim3A_288 = vector.broadcast %broadcast_in_dim3A_287 : i32 to vector<16xi32>
      %gt3A = arith.cmpf ogt, %get3A_251, %get3A_246 : vector<16xf32>
      %gt3A_289 = arith.cmpf ogt, %get3A_251, %broadcast_in_dim3A_284 : vector<16xf32>
      %select_n3A = arith.select %gt3A_289, %get3A_251, %broadcast_in_dim3A_284 : vector<16xi1>, vector<16xf32>
      %select_n3A_290 = arith.select %gt3A, %get3A_246, %select_n3A : vector<16xi1>, vector<16xf32>
      %select_n3A_291 = arith.select %gt3A_289, %broadcast_in_dim3A_288, %broadcast_in_dim3A_286 : vector<16xi1>, vector<16xi32>
      %select_n3A_292 = arith.select %gt3A, %broadcast_in_dim3A_282, %select_n3A_291 : vector<16xi1>, vector<16xi32>
      %select_n3A_293 = arith.select %gt3A, %get3A_251, %get3A_246 : vector<16xi1>, vector<16xf32>
      %select_n3A_294 = arith.select %gt3A, %broadcast_in_dim3A_288, %broadcast_in_dim3A_282 : vector<16xi1>, vector<16xi32>
      %broadcast_in_dim3A_295 = arith.constant 2 : i32
      %broadcast_in_dim3A_296 = vector.broadcast %broadcast_in_dim3A_295 : i32 to vector<16xi32>
      %gt3A_297 = arith.cmpf ogt, %get3A_256, %select_n3A_293 : vector<16xf32>
      %gt3A_298 = arith.cmpf ogt, %get3A_256, %select_n3A_290 : vector<16xf32>
      %select_n3A_299 = arith.select %gt3A_298, %get3A_256, %select_n3A_290 : vector<16xi1>, vector<16xf32>
      %select_n3A_300 = arith.select %gt3A_297, %select_n3A_293, %select_n3A_299 : vector<16xi1>, vector<16xf32>
      %select_n3A_301 = arith.select %gt3A_298, %broadcast_in_dim3A_296, %select_n3A_292 : vector<16xi1>, vector<16xi32>
      %select_n3A_302 = arith.select %gt3A_297, %select_n3A_294, %select_n3A_301 : vector<16xi1>, vector<16xi32>
      %select_n3A_303 = arith.select %gt3A_297, %get3A_256, %select_n3A_293 : vector<16xi1>, vector<16xf32>
      %select_n3A_304 = arith.select %gt3A_297, %broadcast_in_dim3A_296, %select_n3A_294 : vector<16xi1>, vector<16xi32>
      %broadcast_in_dim3A_305 = arith.constant 3 : i32
      %broadcast_in_dim3A_306 = vector.broadcast %broadcast_in_dim3A_305 : i32 to vector<16xi32>
      %gt3A_307 = arith.cmpf ogt, %get3A_261, %select_n3A_303 : vector<16xf32>
      %gt3A_308 = arith.cmpf ogt, %get3A_261, %select_n3A_300 : vector<16xf32>
      %select_n3A_309 = arith.select %gt3A_308, %get3A_261, %select_n3A_300 : vector<16xi1>, vector<16xf32>
      %select_n3A_310 = arith.select %gt3A_307, %select_n3A_303, %select_n3A_309 : vector<16xi1>, vector<16xf32>
      %select_n3A_311 = arith.select %gt3A_308, %broadcast_in_dim3A_306, %select_n3A_302 : vector<16xi1>, vector<16xi32>
      %select_n3A_312 = arith.select %gt3A_307, %select_n3A_304, %select_n3A_311 : vector<16xi1>, vector<16xi32>
      %select_n3A_313 = arith.select %gt3A_307, %get3A_261, %select_n3A_303 : vector<16xi1>, vector<16xf32>
      %select_n3A_314 = arith.select %gt3A_307, %broadcast_in_dim3A_306, %select_n3A_304 : vector<16xi1>, vector<16xi32>
      %broadcast_in_dim3A_315 = arith.constant 4 : i32
      %broadcast_in_dim3A_316 = vector.broadcast %broadcast_in_dim3A_315 : i32 to vector<16xi32>
      %gt3A_317 = arith.cmpf ogt, %get3A_266, %select_n3A_313 : vector<16xf32>
      %gt3A_318 = arith.cmpf ogt, %get3A_266, %select_n3A_310 : vector<16xf32>
      %select_n3A_319 = arith.select %gt3A_318, %get3A_266, %select_n3A_310 : vector<16xi1>, vector<16xf32>
      %select_n3A_320 = arith.select %gt3A_317, %select_n3A_313, %select_n3A_319 : vector<16xi1>, vector<16xf32>
      %select_n3A_321 = arith.select %gt3A_318, %broadcast_in_dim3A_316, %select_n3A_312 : vector<16xi1>, vector<16xi32>
      %select_n3A_322 = arith.select %gt3A_317, %select_n3A_314, %select_n3A_321 : vector<16xi1>, vector<16xi32>
      %select_n3A_323 = arith.select %gt3A_317, %get3A_266, %select_n3A_313 : vector<16xi1>, vector<16xf32>
      %select_n3A_324 = arith.select %gt3A_317, %broadcast_in_dim3A_316, %select_n3A_314 : vector<16xi1>, vector<16xi32>
      %broadcast_in_dim3A_325 = arith.constant 5 : i32
      %broadcast_in_dim3A_326 = vector.broadcast %broadcast_in_dim3A_325 : i32 to vector<16xi32>
      %gt3A_327 = arith.cmpf ogt, %get3A_271, %select_n3A_323 : vector<16xf32>
      %gt3A_328 = arith.cmpf ogt, %get3A_271, %select_n3A_320 : vector<16xf32>
      %select_n3A_329 = arith.select %gt3A_328, %get3A_271, %select_n3A_320 : vector<16xi1>, vector<16xf32>
      %select_n3A_330 = arith.select %gt3A_327, %select_n3A_323, %select_n3A_329 : vector<16xi1>, vector<16xf32>
      %select_n3A_331 = arith.select %gt3A_328, %broadcast_in_dim3A_326, %select_n3A_322 : vector<16xi1>, vector<16xi32>
      %select_n3A_332 = arith.select %gt3A_327, %select_n3A_324, %select_n3A_331 : vector<16xi1>, vector<16xi32>
      %select_n3A_333 = arith.select %gt3A_327, %get3A_271, %select_n3A_323 : vector<16xi1>, vector<16xf32>
      %select_n3A_334 = arith.select %gt3A_327, %broadcast_in_dim3A_326, %select_n3A_324 : vector<16xi1>, vector<16xi32>
      %broadcast_in_dim3A_335 = arith.constant 6 : i32
      %broadcast_in_dim3A_336 = vector.broadcast %broadcast_in_dim3A_335 : i32 to vector<16xi32>
      %gt3A_337 = arith.cmpf ogt, %get3A_276, %select_n3A_333 : vector<16xf32>
      %gt3A_338 = arith.cmpf ogt, %get3A_276, %select_n3A_330 : vector<16xf32>
      %select_n3A_339 = arith.select %gt3A_338, %get3A_276, %select_n3A_330 : vector<16xi1>, vector<16xf32>
      %select_n3A_340 = arith.select %gt3A_337, %select_n3A_333, %select_n3A_339 : vector<16xi1>, vector<16xf32>
      %select_n3A_341 = arith.select %gt3A_338, %broadcast_in_dim3A_336, %select_n3A_332 : vector<16xi1>, vector<16xi32>
      %select_n3A_342 = arith.select %gt3A_337, %select_n3A_334, %select_n3A_341 : vector<16xi1>, vector<16xi32>
      %select_n3A_343 = arith.select %gt3A_337, %get3A_276, %select_n3A_333 : vector<16xi1>, vector<16xf32>
      %select_n3A_344 = arith.select %gt3A_337, %broadcast_in_dim3A_336, %select_n3A_334 : vector<16xi1>, vector<16xi32>
      %broadcast_in_dim3A_345 = arith.constant 7 : i32
      %broadcast_in_dim3A_346 = vector.broadcast %broadcast_in_dim3A_345 : i32 to vector<16xi32>
      %gt3A_347 = arith.cmpf ogt, %get3A_281, %select_n3A_343 : vector<16xf32>
      %gt3A_348 = arith.cmpf ogt, %get3A_281, %select_n3A_340 : vector<16xf32>
      %select_n3A_349 = arith.select %gt3A_348, %get3A_281, %select_n3A_340 : vector<16xi1>, vector<16xf32>
      %select_n3A_350 = arith.select %gt3A_347, %select_n3A_343, %select_n3A_349 : vector<16xi1>, vector<16xf32>
      %select_n3A_351 = arith.select %gt3A_348, %broadcast_in_dim3A_346, %select_n3A_342 : vector<16xi1>, vector<16xi32>
      %select_n3A_352 = arith.select %gt3A_347, %select_n3A_344, %select_n3A_351 : vector<16xi1>, vector<16xi32>
      %select_n3A_353 = arith.select %gt3A_347, %get3A_281, %select_n3A_343 : vector<16xi1>, vector<16xf32>
      %select_n3A_354 = arith.select %gt3A_347, %broadcast_in_dim3A_346, %select_n3A_344 : vector<16xi1>, vector<16xi32>
      %broadcast_in_dim3A_355 = arith.constant 0.000000e+00 : f32
      %broadcast_in_dim3A_356 = vector.broadcast %broadcast_in_dim3A_355 : f32 to vector<16xf32>
      %sub3A = arith.subf %get3A_246, %select_n3A_353 : vector<16xf32>
      %exp3A = math.exp %sub3A : vector<16xf32>
      %add3A_357 = arith.addf %broadcast_in_dim3A_356, %exp3A : vector<16xf32>
      %sub3A_358 = arith.subf %get3A_251, %select_n3A_353 : vector<16xf32>
      %exp3A_359 = math.exp %sub3A_358 : vector<16xf32>
      %add3A_360 = arith.addf %add3A_357, %exp3A_359 : vector<16xf32>
      %sub3A_361 = arith.subf %get3A_256, %select_n3A_353 : vector<16xf32>
      %exp3A_362 = math.exp %sub3A_361 : vector<16xf32>
      %add3A_363 = arith.addf %add3A_360, %exp3A_362 : vector<16xf32>
      %sub3A_364 = arith.subf %get3A_261, %select_n3A_353 : vector<16xf32>
      %exp3A_365 = math.exp %sub3A_364 : vector<16xf32>
      %add3A_366 = arith.addf %add3A_363, %exp3A_365 : vector<16xf32>
      %sub3A_367 = arith.subf %get3A_266, %select_n3A_353 : vector<16xf32>
      %exp3A_368 = math.exp %sub3A_367 : vector<16xf32>
      %add3A_369 = arith.addf %add3A_366, %exp3A_368 : vector<16xf32>
      %sub3A_370 = arith.subf %get3A_271, %select_n3A_353 : vector<16xf32>
      %exp3A_371 = math.exp %sub3A_370 : vector<16xf32>
      %add3A_372 = arith.addf %add3A_369, %exp3A_371 : vector<16xf32>
      %sub3A_373 = arith.subf %get3A_276, %select_n3A_353 : vector<16xf32>
      %exp3A_374 = math.exp %sub3A_373 : vector<16xf32>
      %add3A_375 = arith.addf %add3A_372, %exp3A_374 : vector<16xf32>
      %sub3A_376 = arith.subf %get3A_281, %select_n3A_353 : vector<16xf32>
      %exp3A_377 = math.exp %sub3A_376 : vector<16xf32>
      %add3A_378 = arith.addf %add3A_375, %exp3A_377 : vector<16xf32>
      %div3A = arith.constant 1.000000e+00 : f32
      %div3A_379 = vector.broadcast %div3A : f32 to vector<16xf32>
      %div3A_380 = arith.divf %div3A_379, %add3A_378 : vector<16xf32>
      %sub3A_381 = arith.subf %select_n3A_350, %select_n3A_353 : vector<16xf32>
      %exp3A_382 = math.exp %sub3A_381 : vector<16xf32>
      %mul3A_383 = arith.mulf %exp3A_382, %div3A_380 : vector<16xf32>
      %swap3A = arith.constant 0 : i32
      %swap3A_384 = arith.index_cast %swap3A : i32 to index
      %swap3A_385 = arith.index_cast %mul3A_242 : i32 to index
      %swap3A_386 = tpu.vector_load %arg8[%swap3A_384, %swap3A_385] {strides = array<i32>} : memref<2x1024xf32, #tpu.memory_space<vmem>>, vector<1x16xf32>,
      %swap3A_387 = vector.shape_cast %swap3A_386 : vector<1x16xf32> to vector<16xf32>
      %swap3A_388 = vector.shape_cast %div3A_380 : vector<16xf32> to vector<1x16xf32>
      tpu.vector_store %arg8[%swap3A_384, %swap3A_385], %swap3A_388 {strides = array<i32>} : memref<2x1024xf32, #tpu.memory_space<vmem>>, vector<1x16xf32>,
      %swap3A_389 = arith.constant 1 : i32
      %swap3A_390 = arith.index_cast %swap3A_389 : i32 to index
      %swap3A_391 = arith.index_cast %mul3A_242 : i32 to index
      %swap3A_392 = tpu.vector_load %arg8[%swap3A_390, %swap3A_391] {strides = array<i32>} : memref<2x1024xf32, #tpu.memory_space<vmem>>, vector<1x16xf32>,
      %swap3A_393 = vector.shape_cast %swap3A_392 : vector<1x16xf32> to vector<16xf32>
      %swap3A_394 = vector.shape_cast %mul3A_383 : vector<16xf32> to vector<1x16xf32>
      tpu.vector_store %arg8[%swap3A_390, %swap3A_391], %swap3A_394 {strides = array<i32>} : memref<2x1024xf32, #tpu.memory_space<vmem>>, vector<1x16xf32>,
      %swap3A_395 = arith.constant 0 : i32
      %swap3A_396 = arith.index_cast %swap3A_395 : i32 to index
      %swap3A_397 = arith.index_cast %mul3A_242 : i32 to index
      %swap3A_398 = tpu.vector_load %arg9[%swap3A_396, %swap3A_397] {strides = array<i32>} : memref<2x1024xi32, #tpu.memory_space<vmem>>, vector<1x16xi32>,
      %swap3A_399 = vector.shape_cast %swap3A_398 : vector<1x16xi32> to vector<16xi32>
      %swap3A_400 = vector.shape_cast %select_n3A_354 : vector<16xi32> to vector<1x16xi32>
      tpu.vector_store %arg9[%swap3A_396, %swap3A_397], %swap3A_400 {strides = array<i32>} : memref<2x1024xi32, #tpu.memory_space<vmem>>, vector<1x16xi32>,
      %swap3A_401 = arith.constant 1 : i32
      %swap3A_402 = arith.index_cast %swap3A_401 : i32 to index
      %swap3A_403 = arith.index_cast %mul3A_242 : i32 to index
      %swap3A_404 = tpu.vector_load %arg9[%swap3A_402, %swap3A_403] {strides = array<i32>} : memref<2x1024xi32, #tpu.memory_space<vmem>>, vector<1x16xi32>,
      %swap3A_405 = vector.shape_cast %swap3A_404 : vector<1x16xi32> to vector<16xi32>
      %swap3A_406 = vector.shape_cast %select_n3A_352 : vector<16xi32> to vector<1x16xi32>
      tpu.vector_store %arg9[%swap3A_402, %swap3A_403], %swap3A_406 {strides = array<i32>} : memref<2x1024xi32, #tpu.memory_space<vmem>>, vector<1x16xi32>,
      %scan3A_407 = arith.constant 0 : i32
      scf.yield %scan3A_407 : i32
    }
    %scan3A_166 = arith.constant 64 : i32
    %dma_start3A_167 = arith.constant 0 : i32
    %dma_start3A_168 = arith.constant 0 : i32
    %dma_start3A_169 = tpu.memref_slice %arg8[%dma_start3A_167, %dma_start3A_168] : memref<2x1024xf32, #tpu.memory_space<vmem>> -> memref<1x1024xf32, #tpu.memory_space<vmem>>
    %dma_start3A_170 = tpu.memref_squeeze %dma_start3A_169 : memref<1x1024xf32, #tpu.memory_space<vmem>> -> memref<1024xf32, #tpu.memory_space<vmem>>
    %dma_start3A_171 = tpu.memref_slice %arg3[%mul3A_2] : memref<32768xf32, #tpu.memory_space<hbm>> -> memref<1024xf32, #tpu.memory_space<hbm>>
    %dma_start3A_172 = tpu.memref_slice %arg3[%mul3A_2] : memref<32768xf32, #tpu.memory_space<hbm>> -> memref<1024xf32, #tpu.memory_space<hbm>>
    %dma_start3A_173 = arith.constant 0 : i32
    %dma_start3A_174 = tpu.memref_slice %arg8[%dma_start3A_167, %dma_start3A_173] : memref<2x1024xf32, #tpu.memory_space<vmem>> -> memref<1x1024xf32, #tpu.memory_space<vmem>>
    %dma_start3A_175 = tpu.memref_squeeze %dma_start3A_174 : memref<1x1024xf32, #tpu.memory_space<vmem>> -> memref<1024xf32, #tpu.memory_space<vmem>>
    tpu.enqueue_dma source(%dma_start3A_175 : memref<1024xf32, #tpu.memory_space<vmem>>) target(%dma_start3A_172 : memref<1024xf32, #tpu.memory_space<hbm>>) target_semaphore(%arg11 : memref<!tpu.dma_semaphore, #tpu.memory_space<semaphore_mem>>)
    %dma_start3A_176 = arith.constant 1 : i32
    %dma_start3A_177 = arith.constant 0 : i32
    %dma_start3A_178 = tpu.memref_slice %arg8[%dma_start3A_176, %dma_start3A_177] : memref<2x1024xf32, #tpu.memory_space<vmem>> -> memref<1x1024xf32, #tpu.memory_space<vmem>>
    %dma_start3A_179 = tpu.memref_squeeze %dma_start3A_178 : memref<1x1024xf32, #tpu.memory_space<vmem>> -> memref<1024xf32, #tpu.memory_space<vmem>>
    %dma_start3A_180 = tpu.memref_slice %arg4[%mul3A_2] : memref<32768xf32, #tpu.memory_space<hbm>> -> memref<1024xf32, #tpu.memory_space<hbm>>
    %dma_start3A_181 = tpu.memref_slice %arg4[%mul3A_2] : memref<32768xf32, #tpu.memory_space<hbm>> -> memref<1024xf32, #tpu.memory_space<hbm>>
    %dma_start3A_182 = arith.constant 0 : i32
    %dma_start3A_183 = tpu.memref_slice %arg8[%dma_start3A_176, %dma_start3A_182] : memref<2x1024xf32, #tpu.memory_space<vmem>> -> memref<1x1024xf32, #tpu.memory_space<vmem>>
    %dma_start3A_184 = tpu.memref_squeeze %dma_start3A_183 : memref<1x1024xf32, #tpu.memory_space<vmem>> -> memref<1024xf32, #tpu.memory_space<vmem>>
    tpu.enqueue_dma source(%dma_start3A_184 : memref<1024xf32, #tpu.memory_space<vmem>>) target(%dma_start3A_181 : memref<1024xf32, #tpu.memory_space<hbm>>) target_semaphore(%arg11 : memref<!tpu.dma_semaphore, #tpu.memory_space<semaphore_mem>>)
    %dma_start3A_185 = arith.constant 0 : i32
    %dma_start3A_186 = arith.constant 0 : i32
    %dma_start3A_187 = tpu.memref_slice %arg9[%dma_start3A_185, %dma_start3A_186] : memref<2x1024xi32, #tpu.memory_space<vmem>> -> memref<1x1024xi32, #tpu.memory_space<vmem>>
    %dma_start3A_188 = tpu.memref_squeeze %dma_start3A_187 : memref<1x1024xi32, #tpu.memory_space<vmem>> -> memref<1024xi32, #tpu.memory_space<vmem>>
    %dma_start3A_189 = tpu.memref_slice %arg5[%mul3A_2] : memref<32768xi32, #tpu.memory_space<hbm>> -> memref<1024xi32, #tpu.memory_space<hbm>>
    %dma_start3A_190 = tpu.memref_slice %arg5[%mul3A_2] : memref<32768xi32, #tpu.memory_space<hbm>> -> memref<1024xi32, #tpu.memory_space<hbm>>
    %dma_start3A_191 = arith.constant 0 : i32
    %dma_start3A_192 = tpu.memref_slice %arg9[%dma_start3A_185, %dma_start3A_191] : memref<2x1024xi32, #tpu.memory_space<vmem>> -> memref<1x1024xi32, #tpu.memory_space<vmem>>
    %dma_start3A_193 = tpu.memref_squeeze %dma_start3A_192 : memref<1x1024xi32, #tpu.memory_space<vmem>> -> memref<1024xi32, #tpu.memory_space<vmem>>
    tpu.enqueue_dma source(%dma_start3A_193 : memref<1024xi32, #tpu.memory_space<vmem>>) target(%dma_start3A_190 : memref<1024xi32, #tpu.memory_space<hbm>>) target_semaphore(%arg11 : memref<!tpu.dma_semaphore, #tpu.memory_space<semaphore_mem>>)
    %dma_start3A_194 = arith.constant 1 : i32
    %dma_start3A_195 = arith.constant 0 : i32
    %dma_start3A_196 = tpu.memref_slice %arg9[%dma_start3A_194, %dma_start3A_195] : memref<2x1024xi32, #tpu.memory_space<vmem>> -> memref<1x1024xi32, #tpu.memory_space<vmem>>
    %dma_start3A_197 = tpu.memref_squeeze %dma_start3A_196 : memref<1x1024xi32, #tpu.memory_space<vmem>> -> memref<1024xi32, #tpu.memory_space<vmem>>
    %dma_start3A_198 = tpu.memref_slice %arg6[%mul3A_2] : memref<32768xi32, #tpu.memory_space<hbm>> -> memref<1024xi32, #tpu.memory_space<hbm>>
    %dma_start3A_199 = tpu.memref_slice %arg6[%mul3A_2] : memref<32768xi32, #tpu.memory_space<hbm>> -> memref<1024xi32, #tpu.memory_space<hbm>>
    %dma_start3A_200 = arith.constant 0 : i32
    %dma_start3A_201 = tpu.memref_slice %arg9[%dma_start3A_194, %dma_start3A_200] : memref<2x1024xi32, #tpu.memory_space<vmem>> -> memref<1x1024xi32, #tpu.memory_space<vmem>>
    %dma_start3A_202 = tpu.memref_squeeze %dma_start3A_201 : memref<1x1024xi32, #tpu.memory_space<vmem>> -> memref<1024xi32, #tpu.memory_space<vmem>>
    tpu.enqueue_dma source(%dma_start3A_202 : memref<1024xi32, #tpu.memory_space<vmem>>) target(%dma_start3A_199 : memref<1024xi32, #tpu.memory_space<hbm>>) target_semaphore(%arg11 : memref<!tpu.dma_semaphore, #tpu.memory_space<semaphore_mem>>)
    %dma_wait3A_203 = arith.constant 0 : i32
    %dma_wait3A_204 = arith.constant 0 : i32
    %dma_wait3A_205 = tpu.memref_slice %arg8[%dma_wait3A_203, %dma_wait3A_204] : memref<2x1024xf32, #tpu.memory_space<vmem>> -> memref<1x1024xf32, #tpu.memory_space<vmem>>
    %dma_wait3A_206 = tpu.memref_squeeze %dma_wait3A_205 : memref<1x1024xf32, #tpu.memory_space<vmem>> -> memref<1024xf32, #tpu.memory_space<vmem>>
    %dma_wait3A_207 = tpu.memref_slice %arg3[%mul3A_2] : memref<32768xf32, #tpu.memory_space<hbm>> -> memref<1024xf32, #tpu.memory_space<hbm>>
    %dma_wait3A_208 = tpu.memref_slice %arg3[%mul3A_2] : memref<32768xf32, #tpu.memory_space<hbm>> -> memref<1024xf32, #tpu.memory_space<hbm>>
    %dma_wait3A_209 = arith.constant 0 : i32
    %dma_wait3A_210 = tpu.memref_slice %arg8[%dma_wait3A_203, %dma_wait3A_209] : memref<2x1024xf32, #tpu.memory_space<vmem>> -> memref<1x1024xf32, #tpu.memory_space<vmem>>
    %dma_wait3A_211 = tpu.memref_squeeze %dma_wait3A_210 : memref<1x1024xf32, #tpu.memory_space<vmem>> -> memref<1024xf32, #tpu.memory_space<vmem>>
    tpu.wait_dma2 semaphore(%arg11 : memref<!tpu.dma_semaphore, #tpu.memory_space<semaphore_mem>>) src(%dma_wait3A_211 : memref<1024xf32, #tpu.memory_space<vmem>>) dst(%dma_wait3A_208 : memref<1024xf32, #tpu.memory_space<hbm>>)
    %dma_wait3A_212 = arith.constant 1 : i32
    %dma_wait3A_213 = arith.constant 0 : i32
    %dma_wait3A_214 = tpu.memref_slice %arg8[%dma_wait3A_212, %dma_wait3A_213] : memref<2x1024xf32, #tpu.memory_space<vmem>> -> memref<1x1024xf32, #tpu.memory_space<vmem>>
    %dma_wait3A_215 = tpu.memref_squeeze %dma_wait3A_214 : memref<1x1024xf32, #tpu.memory_space<vmem>> -> memref<1024xf32, #tpu.memory_space<vmem>>
    %dma_wait3A_216 = tpu.memref_slice %arg4[%mul3A_2] : memref<32768xf32, #tpu.memory_space<hbm>> -> memref<1024xf32, #tpu.memory_space<hbm>>
    %dma_wait3A_217 = tpu.memref_slice %arg4[%mul3A_2] : memref<32768xf32, #tpu.memory_space<hbm>> -> memref<1024xf32, #tpu.memory_space<hbm>>
    %dma_wait3A_218 = arith.constant 0 : i32
    %dma_wait3A_219 = tpu.memref_slice %arg8[%dma_wait3A_212, %dma_wait3A_218] : memref<2x1024xf32, #tpu.memory_space<vmem>> -> memref<1x1024xf32, #tpu.memory_space<vmem>>
    %dma_wait3A_220 = tpu.memref_squeeze %dma_wait3A_219 : memref<1x1024xf32, #tpu.memory_space<vmem>> -> memref<1024xf32, #tpu.memory_space<vmem>>
    tpu.wait_dma2 semaphore(%arg11 : memref<!tpu.dma_semaphore, #tpu.memory_space<semaphore_mem>>) src(%dma_wait3A_220 : memref<1024xf32, #tpu.memory_space<vmem>>) dst(%dma_wait3A_217 : memref<1024xf32, #tpu.memory_space<hbm>>)
    %dma_wait3A_221 = arith.constant 0 : i32
    %dma_wait3A_222 = arith.constant 0 : i32
    %dma_wait3A_223 = tpu.memref_slice %arg9[%dma_wait3A_221, %dma_wait3A_222] : memref<2x1024xi32, #tpu.memory_space<vmem>> -> memref<1x1024xi32, #tpu.memory_space<vmem>>
    %dma_wait3A_224 = tpu.memref_squeeze %dma_wait3A_223 : memref<1x1024xi32, #tpu.memory_space<vmem>> -> memref<1024xi32, #tpu.memory_space<vmem>>
    %dma_wait3A_225 = tpu.memref_slice %arg5[%mul3A_2] : memref<32768xi32, #tpu.memory_space<hbm>> -> memref<1024xi32, #tpu.memory_space<hbm>>
    %dma_wait3A_226 = tpu.memref_slice %arg5[%mul3A_2] : memref<32768xi32, #tpu.memory_space<hbm>> -> memref<1024xi32, #tpu.memory_space<hbm>>
    %dma_wait3A_227 = arith.constant 0 : i32
    %dma_wait3A_228 = tpu.memref_slice %arg9[%dma_wait3A_221, %dma_wait3A_227] : memref<2x1024xi32, #tpu.memory_space<vmem>> -> memref<1x1024xi32, #tpu.memory_space<vmem>>
    %dma_wait3A_229 = tpu.memref_squeeze %dma_wait3A_228 : memref<1x1024xi32, #tpu.memory_space<vmem>> -> memref<1024xi32, #tpu.memory_space<vmem>>
    tpu.wait_dma2 semaphore(%arg11 : memref<!tpu.dma_semaphore, #tpu.memory_space<semaphore_mem>>) src(%dma_wait3A_229 : memref<1024xi32, #tpu.memory_space<vmem>>) dst(%dma_wait3A_226 : memref<1024xi32, #tpu.memory_space<hbm>>)
    %dma_wait3A_230 = arith.constant 1 : i32
    %dma_wait3A_231 = arith.constant 0 : i32
    %dma_wait3A_232 = tpu.memref_slice %arg9[%dma_wait3A_230, %dma_wait3A_231] : memref<2x1024xi32, #tpu.memory_space<vmem>> -> memref<1x1024xi32, #tpu.memory_space<vmem>>
    %dma_wait3A_233 = tpu.memref_squeeze %dma_wait3A_232 : memref<1x1024xi32, #tpu.memory_space<vmem>> -> memref<1024xi32, #tpu.memory_space<vmem>>
    %dma_wait3A_234 = tpu.memref_slice %arg6[%mul3A_2] : memref<32768xi32, #tpu.memory_space<hbm>> -> memref<1024xi32, #tpu.memory_space<hbm>>
    %dma_wait3A_235 = tpu.memref_slice %arg6[%mul3A_2] : memref<32768xi32, #tpu.memory_space<hbm>> -> memref<1024xi32, #tpu.memory_space<hbm>>
    %dma_wait3A_236 = arith.constant 0 : i32
    %dma_wait3A_237 = tpu.memref_slice %arg9[%dma_wait3A_230, %dma_wait3A_236] : memref<2x1024xi32, #tpu.memory_space<vmem>> -> memref<1x1024xi32, #tpu.memory_space<vmem>>
    %dma_wait3A_238 = tpu.memref_squeeze %dma_wait3A_237 : memref<1x1024xi32, #tpu.memory_space<vmem>> -> memref<1024xi32, #tpu.memory_space<vmem>>
    tpu.wait_dma2 semaphore(%arg11 : memref<!tpu.dma_semaphore, #tpu.memory_space<semaphore_mem>>) src(%dma_wait3A_238 : memref<1024xi32, #tpu.memory_space<vmem>>) dst(%dma_wait3A_235 : memref<1024xi32, #tpu.memory_space<hbm>>)
    return
  }
}

module attributes {stable_mosaic.version = 14 : i64} {
  func.func @_mm_kernel(%arg0: i32, %arg1: memref<2048x2048xf32, #tpu.memory_space<vmem>>, %arg2: memref<8x2048xf32, #tpu.memory_space<vmem>>, %arg3: memref<8x2048xf32, #tpu.memory_space<vmem>>) attributes {dimension_semantics = [#tpu.dimension_semantics<arbitrary>], iteration_bounds = array<i64: 16>, scalar_prefetch = 0 : i64, scratch_operands = 0 : i64, tpu.core_type = #tpu.core_type<tc>, window_params = [{transform_indices = @transform_0, window_bounds = array<i64: 2048, 2048>}, {pipeline_mode = #tpu.pipeline_mode<synchronous>, transform_indices = @transform_1, window_bounds = array<i64: 8, 2048>}, {transform_indices = @transform_2, window_bounds = array<i64: 8, 2048>}]} {
    %get3A = arith.constant 0 : index
    %get3A_0 = arith.constant 0 : index
    %get3A_1 = vector.load %arg2[%get3A, %get3A_0] : memref<8x2048xf32, #tpu.memory_space<vmem>>, vector<8x2048xf32>
    %get3A_2 = arith.constant 0 : index
    %get3A_3 = arith.constant 0 : index
    %get3A_4 = vector.load %arg1[%get3A_2, %get3A_3] : memref<2048x2048xf32, #tpu.memory_space<vmem>>, vector<2048x2048xf32>
    %dot_general3A = arith.constant dense<0.000000e+00> : vector<8x2048xf32>
    %dot_general3A_5 = tpu.matmul %get3A_1, %get3A_4, %dot_general3A {dimension_numbers = #tpu.dot_dimension_numbers<[1], [1], [0], [0], [0, 0, 1, 0], [], []>, transpose_lhs_hint = false} : vector<8x2048xf32>, vector<2048x2048xf32>, vector<8x2048xf32> -> vector<8x2048xf32>
    %swap3A = arith.constant 0 : index
    %swap3A_6 = arith.constant 0 : index
    %swap3A_7 = vector.load %arg3[%swap3A, %swap3A_6] : memref<8x2048xf32, #tpu.memory_space<vmem>>, vector<8x2048xf32>
    tpu.vector_store %arg3[%swap3A, %swap3A_6], %dot_general3A_5 {strides = array<i32>} : memref<8x2048xf32, #tpu.memory_space<vmem>>, vector<8x2048xf32>,
    return
  }
  func.func @transform_0(%arg0: i32) -> (i32, i32) {
    %c0_i32 = arith.constant 0 : i32
    %c0_i32_0 = arith.constant 0 : i32
    return %arg0, %c0_i32 : i32, i32
  }
  func.func @transform_1(%arg0: i32) -> (i32, i32) {
    %c0_i32 = arith.constant 0 : i32
    %c0_i32_0 = arith.constant 0 : i32
    %c0_i32_1 = arith.constant 0 : i32
    return %c0_i32, %c0_i32_0 : i32, i32
  }
  func.func @transform_2(%arg0: i32) -> (i32, i32) {
    %c0_i32 = arith.constant 0 : i32
    %c0_i32_0 = arith.constant 0 : i32
    return %c0_i32, %arg0 : i32, i32
  }
}

</mosaic_0001>

<sc_bundles>
// kernel: kernel.4.cloned.1.call-start
scs
__scs_entry_jumppad:
0x0: {  	(pc) =	sbr.rel $0x88, $3  }
0x1: {  	(tag) =	ssettag $0x0;
	lr =	simm.s32 $0x1  }
0x2: {  	[smem:$0x3F9F] =	sst lr;
	_ =	strace $0xD0000000  }
0x3: {  	_ = 	snop  }
0x4: {  	_ = 	snop  }
0x5: {  	_ = 	snop  }
0x6: {  	_ = 	snop  }
0x7: {  	_ = 	snop  }
__scs_overlays_trampoline_lowered:
0x8: {  	[smem:$0x3FAE] =	sst s0  }
0x9: {  	[smem:$0x3FAF] =	sst s1  }
0xa: {  	[smem:$0x3FB0] =	sst s2  }
0xb: {  	[smem:$0x3FB1] =	sst s3  }
0xc: {  	[smem:$0x3FB2] =	sst s4  }
0xd: {  	[smem:$0x3FB3] =	sst s5  }
0xe: {  	[smem:$0x3FB4] =	sst s6  }
0xf: {  	[smem:$0x3FB5] =	sst s7  }
0x10: {  	[smem:$0x3FB6] =	sst s8  }
0x11: {  	[smem:$0x3FB7] =	sst s9;
	s0 =	simm.s32 @!p0 $0x0  }
0x12: {  	s1 =	sld [smem:$0x3F9D];
	s0 =	simm.s32 @p0 $0x1  }
0x13: {  	[smem:$0x3FB8] =	sst s0;
	s0 =	simm.s32 @!p1 $0x0  }
0x14: {  	s2 =	sld [smem:$0x3F9C];
	s0 =	simm.s32 @p1 $0x1  }
0x15: {  	[smem:$0x3FB9] =	sst s0;
	s0 =	simm.s32 @!p2 $0x0  }
0x16: {  	s3 =	sld [smem:$0x3FDB];
	s0 =	simm.s32 @p2 $0x1  }
0x17: {  	s4 =	simm.s32 $0x1BF5;
	[smem:$0x3FBB] =	sst s0  }
0x18: {  	s0 =	sld [smem:$0x3F9E];
	_ =	swait.ge [sflag:s4], $0x0  }
0x19: {  	s7 =	sld [smem:$0x3F9F]  }
0x1a: {  	s8 =	sadd.s32 $0xFFFFE003, lr  }
0x1b: {  	s9 =	sadd.s32 $0xFFFFFEF7, lr;
	s5 =	simm.s32 $0xFFFFFFFF;
	p2 =	slt.u32 s8, $0xFFFFF086  }
0x1c: {  	p1 =	slt.u32 s9, $0xF7A;
	s5 =	simm.s32 @!p2 $0x0  }
0x1d: {  	s5 =	simm.s32 @p1 $0x1;
	p0 =	seq.s32 s7, s2  }
0x1e: {  	s7 =	smul.u32 @!p0 $0xF7A, s2;
	p2 =	seq.s32 @!p0 s5, $0x0  }
0x1f: {  	s9 =	smul.u32 $0xF7A, s1;
	s8 =	simm.s32 @!p0 $0x1BF5;
	p2 =	por !p2, p0  }
0x20: {  	[sflag:s8] =	ssyncset.s32 @!p0 $0xFFFFF086;
	s6 =	sadd.s32 @!p0 s3, s7;
	s7 =	simm.s32 @!p0 $0x108  }
0x21: {  	s3 =	sadd.s32 s3, s9;
	s6 =	sadd.s32 @!p0 $0x88, s6;
	s7 =	simm.s32 @p2 $0x1082  }
0x22: {  	[simem:s7], [sflag:s8] =	dma.local @!p0 [hbm:s6], $0xF7A  }
0x23: {  	s9 =	sor.u32 $0xD0000000, s2;
	s6 =	simm.s32 $0x108;
	_ =	swait.ge @!p0 [sflag:s8], $0x0  }
0x24: {  	s3 =	sadd.s32 $0x88, s3;
	s6 =	simm.s32 @!p1 $0x1082;
	[sflag:s4] =	ssyncset.s32 $0xFFFFF086  }
0x25: {  	[simem:s6], [sflag:s4] =	dma.local [hbm:s3], $0xF7A  }
0x26: {  	[smem:$0x3F9F] =	sst s1;
	(tag) =	ssettag s2;
	_ =	strace s9  }
0x27: {  	s1 =	sld [smem:$0x3FAF]  }
0x28: {  	s2 =	sld [smem:$0x3FB0]  }
0x29: {  	s4 =	sld [smem:$0x3FB2]  }
0x2a: {  	p0 =	seq.s32 s5, $0x0;
	s5 =	sld [smem:$0x3FB3]  }
0x2b: {  	s6 =	sld [smem:$0x3FB4]  }
0x2c: {  	s7 =	sld [smem:$0x3FB5]  }
0x2d: {  	s3 =	simm.s32 $0x108;
	s8 =	sld [smem:$0x3FB6]  }
0x2e: {  	s3 =	simm.s32 @!p0 $0x1082;
	s9 =	sld [smem:$0x3FB7]  }
0x2f: {  	lr =	sadd.s32 s0, s3;
	s0 =	sld [smem:$0x3FAE]  }
0x30: {  	s3 =	sld [smem:$0x3FB1]  }
0x31: {  	[smem:$0x3FBA] =	sst s10  }
0x32: {  	s10 =	sld [smem:$0x3FB8];
	_ =	sdelay $0x3  }
0x33: {  	p0 =	seq.s32 s10, $0x1;
	s10 =	sld [smem:$0x3FBA];
	_ =	sdelay $0x3  }
0x34: {  	[smem:$0x3FBA] =	sst s10  }
0x35: {  	s10 =	sld [smem:$0x3FB9];
	_ =	sdelay $0x3  }
0x36: {  	p1 =	seq.s32 s10, $0x1;
	s10 =	sld [smem:$0x3FBA];
	_ =	sdelay $0x3  }
0x37: {  	[smem:$0x3FBA] =	sst s10  }
0x38: {  	s10 =	sld [smem:$0x3FBB]  }
0x39: {  	_ = 	snop;
	(pc) =	sbr.ind lr, $3  }
0x3a: {  	_ = 	snop  }
0x3b: {  	_ = 	snop  }
0x3c: {  	p2 =	seq.s32 s10, $0x1;
	s10 =	sld [smem:$0x3FBA]  }
0x3d: {  	_ =	shalt  }
0x3e: {  	_ =	shalt  }
0x3f: {  	_ =	shalt  }
0x40: {  	_ =	shalt  }
0x41: {  	_ =	shalt  }
0x42: {  	_ =	shalt  }
0x43: {  	_ =	shalt  }
0x44: {  	_ =	shalt  }
0x45: {  	_ =	shalt  }
0x46: {  	_ =	shalt  }
0x47: {  	_ =	shalt  }
0x48: {  	_ =	shalt  }
0x49: {  	_ =	shalt  }
0x4a: {  	_ =	shalt  }
0x4b: {  	_ =	shalt  }
0x4c: {  	_ =	shalt  }
0x4d: {  	_ =	shalt  }
0x4e: {  	_ =	shalt  }
0x4f: {  	_ =	shalt  }
0x50: {  	_ =	shalt  }
0x51: {  	_ =	shalt  }
0x52: {  	_ =	shalt  }
0x53: {  	_ =	shalt  }
0x54: {  	_ =	shalt  }
0x55: {  	_ =	shalt  }
0x56: {  	_ =	shalt  }
0x57: {  	_ =	shalt  }
0x58: {  	_ =	shalt  }
0x59: {  	_ =	shalt  }
0x5a: {  	_ =	shalt  }
0x5b: {  	_ =	shalt  }
0x5c: {  	_ =	shalt  }
0x5d: {  	_ =	shalt  }
0x5e: {  	_ =	shalt  }
0x5f: {  	_ =	shalt  }
0x60: {  	_ =	shalt  }
0x61: {  	_ =	shalt  }
0x62: {  	_ =	shalt  }
0x63: {  	_ =	shalt  }
0x64: {  	_ =	shalt  }
0x65: {  	_ =	shalt  }
0x66: {  	_ =	shalt  }
0x67: {  	_ =	shalt  }
0x68: {  	_ =	shalt  }
0x69: {  	_ =	shalt  }
0x6a: {  	_ =	shalt  }
0x6b: {  	_ =	shalt  }
0x6c: {  	_ =	shalt  }
0x6d: {  	_ =	shalt  }
0x6e: {  	_ =	shalt  }
0x6f: {  	_ =	shalt  }
0x70: {  	_ =	shalt  }
0x71: {  	_ =	shalt  }
0x72: {  	_ =	shalt  }
0x73: {  	_ =	shalt  }
0x74: {  	_ =	shalt  }
0x75: {  	_ =	shalt  }
0x76: {  	_ =	shalt  }
0x77: {  	_ =	shalt  }
0x78: {  	_ =	shalt  }
0x79: {  	_ =	shalt  }
0x7a: {  	_ =	shalt  }
0x7b: {  	_ =	shalt  }
0x7c: {  	_ =	shalt  }
0x7d: {  	_ =	shalt  }
0x7e: {  	_ =	shalt  }
0x7f: {  	_ =	shalt  }
0x80: {  	_ =	shalt  }
0x81: {  	_ =	shalt  }
0x82: {  	_ =	shalt  }
0x83: {  	_ =	shalt  }
0x84: {  	_ =	shalt  }
0x85: {  	_ =	shalt  }
0x86: {  	_ =	shalt  }
0x87: {  	_ =	shalt  }
.Lfunc_end0:
.L_simem_size_0:
called_computation_lowered:
.L_overlay_start_0:
0x88: {  	s2 =	sld [smem:$0x3FD9]  }
0x89: {  	s3 =	sld [smem:$0x3FFE];
	_ =	sdelay $0x1  }
0x8a: {  	s1 =	srdreg.scid  }
0x8b: {  	s0 =	sand.u32 $0x1, s1  }
0x8c: {  	s14 =	sshll.u32 s0, $0xA;
	s2 =	sadd.s32 s3, s2  }
0x8d: {  	s2 =	sadd.s32 s2, s14  }
0x8e: {  	[smem:$0x3FC6] =	sst s2  }
0x8f: {  	_ = 	snop  }
0x90: {  	s2 =	sld [smem:$0x3FD0];
	_ =	sdelay $0x2  }
0x91: {  	s15 =	simm.s32 $0xA;
	s4 =	simm.s32 $0x10  }
0x92: {  	[smem:s4], [sflag:s15] =	dma.local [hbm:s2], $0x1  }
0x93: {  	_ =	swait.eq [sflag:s15], $0x1  }
0x94: {  	[sflag:s15] =	ssyncset.done $0x0  }
0x95: {  	[sflag:s15] =	ssyncadd.s32 $0xFFFFFFFF  }
0x96: {  	s16 =	sld [smem:$0x11];
	(tm) =	ssettm $0x1  }
0x97: {  	s17 =	sld [smem:$0x3FFB];
	_ =	sdelay $0x3  }
0x98: {  	_ =	strace s17  }
0x99: {  	s3 =	sld [smem:$0x3FFC];
	_ =	sdelay $0x3  }
0x9a: {  	_ =	strace s3  }
0x9b: {  	s3 =	sld [smem:$0x3FFD];
	_ =	sdelay $0x3  }
0x9c: {  	_ =	strace s3  }
0x9d: {  	_ =	strace $0x8FFFFFFF  }
0x9e: {  	s18 =	sld [smem:$0x3FDB];
	_ =	sdelay $0x1  }
0x9f: {  	s19 =	simm.s32 $_scs_section_size  }
0xa0: {  	s5 =	simm.s32 $_size__tile_overlayer_lowered;
	s6 =	simm.s32 $_tile_overlayer_lowered  }
0xa1: {  	s22 =	simm.s32 $0x1BFF;
	s21 =	sshll.u32 s6, $0x1;
	s3 =	sadd.s32 s19, s18  }
0xa2: {  	s7 =	simm.s32 $0x0;
	s20 =	sshll.u32 s5, $0x1;
	s5 =	sadd.s32 s21, s3  }
0xa3: {  	[timem:s7], [sflag:s22] =	dma.local [hbm:s5], s20  }
0xa4: {  	_ =	swait.ge [sflag:s22], s20  }
0xa5: {  	s4 =	ssub.s32 $0x0, s20;
	[sflag:s22] =	ssyncset.done $0x0  }
0xa6: {  	[sflag:s22] =	ssyncadd.s32 s4;
	_ =	sdelay $0x1  }
0xa7: {  	s23 =	simm.s32 $0x1B8B  }
0xa8: {  	_ =	swait.ge [sflag:s23], $0x1  }
0xa9: {  	[sflag:s23] =	ssyncset.done $0x0  }
0xaa: {  	s25 =	simm.s32 $0x1B8E;
	s24 =	sld [smem:$0x3FFE];
	[sflag:s23] =	ssyncadd.s32 $0xFFFFFFFF  }
0xab: {  	s26 =	simm.s32 $execute0_lowered;
	[smem:$0x3FD2] =	sst s25  }
0xac: {  	s5 =	sshll.u32 s26, $0x1;
	_ =	strace $0x80000046;
	[dreg:$0x1] =	wrdreg $0xFFFFFFFF  }
0xad: {  	s28 =	simm.s32 $_size_execute0_lowered;
	s3 =	sadd.s32 s3, s5;
	[dreg:$0x0] =	wrdreg $0x0  }
0xae: {  	s5 =	sshll.u32 s28, $0x1;
	[dreg:$0x2] =	wrdreg s3  }
0xaf: {  	[dreg:$0x3] =	wrdreg s5  }
0xb0: {  	[dreg:$0x4] =	wrdreg $0xC0  }
0xb1: {  	_ =	task [dreg:s7], $0x5FFFF  }
0xb2: {  	[dreg:$0x1] =	wrdreg $0xFFFFFFFF  }
0xb3: {  	[dreg:$0x0] =	wrdreg $0x60  }
0xb4: {  	[dreg:$0x2] =	wrdreg s24  }
0xb5: {  	[dreg:$0x3] =	wrdreg s16  }
0xb6: {  	[dreg:$0x4] =	wrdreg $0x9  }
0xb7: {  	_ =	task.clear_ibuf [dreg:s7], $0x5FFFF;
	_ =	strace $0x90000046  }
0xb8: {  	s29 =	simm.s32 $0x9;
	_ =	strace $0x80000048  }
0xb9: {  	_ =	swait.ge [sflag:s29], $0x1  }
0xba: {  	[sflag:s29] =	ssyncadd.s32 $0xFFFFFFFF  }
0xbb: {  	_ =	strace $0x90000048  }
0xbc: {  	_ =	sfence  }
0xbd: {  	s30 =	sld [smem:$0x0];
	_ =	sdelay $0x2  }
0xbe: {  	s31 =	sshll.u32 s1, $0xD;
	s1 =	sshrl.u32 s1, $0x2  }
0xbf: {  	s3 =	sand.u32 $0x4000, s31;
	s1 =	sadd.s32 s1, s30  }
0xc0: {  	s0 =	sor.u32 s3, s0;
	s1 =	sshll.u32 s1, $0x11  }
0xc1: {  	s0 =	sor.u32 s1, s0  }
0xc2: {  	s0 =	sadd.s32 $0x8F2B, s0  }
0xc3: {  	[sflag:s0] =	ssyncadd.remote.s32 $0x1  }
0xc4: {  	_ =	sfence.sel $0xFFFF  }
0xc5: {  	[dreg:$0x0] =	wrdreg $0xFFFFFFFF;
	(pc) =	sbr.abs _section_cstart, $3  }
0xc6: {  	[dreg:$0x1] =	wrdreg $0xFFFFFFFF  }
0xc7: {  	_ =	task.clear_ibuf [dreg:s7], $0x2FFFF;
	_ =	strace $0x9FFFFFFF  }
0xc8: {  	(tm) =	ssettm $0x7FFFFFFF  }
0xc9: {  	_ =	shalt  }
tec
execute0_lowered:
.L_overlay_start_1:
0x0: {  	(tag) =	ssettag $0x1  }
0x1: {  	s2 =	srdreg.scid  }
0x2: {  	s4 =	stileid.u32;
	s3 =	sand.u32 $0x1, s2  }
0x3: {  	s4 =	sshll.u32 s4, $0x8;
	s5 =	sshll.u32 s3, $0x7  }
0x4: {  	s0 =	rddreg [dreg:$0x0];
	s4 =	sor.u32 s5, s4  }
0x5: {  	s1 =	rddreg [dreg:$0x1];
	s2 =	simm.s32 $0x0;
	s19 =	sadd.s32 s4, s0  }
0x6: {  	[smem:$0x7FF] =	sst s2;
	s23 =	sadd.s32 $0xA00, s19  }
0x7: {  	_ =	strace $0x80000047;
	s24 =	sadd.s32 $0x1A00, s19;
	[dreg:$0x3] =	wrdreg s23  }
0x8: {  	s25 =	sadd.s32 $0x2A00, s19;
	[dreg:$0x4] =	wrdreg s24  }
0x9: {  	s26 =	sadd.s32 $0x3A00, s19;
	[dreg:$0x5] =	wrdreg s25  }
0xa: {  	s28 =	sadd.s32 $0x4A00, s19;
	[dreg:$0x6] =	wrdreg s26  }
0xb: {  	s3 =	ssub.s32 $0x2, s3;
	s29 =	sadd.s32 $0x5A00, s19;
	[dreg:$0x7] =	wrdreg s28  }
0xc: {  	s22 =	sshrl.u32 s3, $0x1;
	s5 =	sadd.s32 $0x6A00, s19;
	[dreg:$0x8] =	wrdreg s29  }
0xd: {  	s0 =	ssub.s32 s3, s22;
	s6 =	sadd.s32 $0x7A00, s19;
	[dreg:$0x9] =	wrdreg s5  }
0xe: {  	s0 =	smax.u32 s0, $0x1;
	[dreg:$0xa] =	wrdreg s6  }
0xf: {  	s7 =	sadd.s32 $0xA10, s19;
	[dreg:$0xb] =	wrdreg s0  }
0x10: {  	s8 =	sadd.s32 $0xA20, s19;
	[dreg:$0xc] =	wrdreg s7  }
0x11: {  	s9 =	sadd.s32 $0xA30, s19;
	[dreg:$0xd] =	wrdreg s8  }
0x12: {  	s10 =	sadd.s32 $0xA40, s19;
	[dreg:$0xe] =	wrdreg s9  }
0x13: {  	s15 =	sadd.s32 $0xA50, s19;
	[dreg:$0xf] =	wrdreg s10  }
0x14: {  	s16 =	sadd.s32 $0xA60, s19;
	[dreg:$0x10] =	wrdreg s15  }
0x15: {  	s17 =	sadd.s32 $0xA70, s19;
	[dreg:$0x11] =	wrdreg s16  }
0x16: {  	s18 =	sadd.s32 $0x1A10, s19;
	[dreg:$0x12] =	wrdreg s17  }
0x17: {  	s20 =	sadd.s32 $0x1A20, s19;
	[dreg:$0x13] =	wrdreg s18  }
0x18: {  	s21 =	sadd.s32 $0x1A30, s19;
	[dreg:$0x14] =	wrdreg s20  }
0x19: {  	s22 =	sadd.s32 $0x1A40, s19;
	[dreg:$0x15] =	wrdreg s21  }
0x1a: {  	s11 =	sadd.s32 s1, s4;
	s1 =	sadd.s32 $0x2A40, s19;
	[dreg:$0x16] =	wrdreg s22  }
0x1b: {  	s3 =	sadd.s32 $0x2A50, s19;
	[dreg:$0x1d] =	wrdreg s1  }
0x1c: {  	s4 =	sadd.s32 $0x2A60, s19;
	[dreg:$0x1e] =	wrdreg s3  }
0x1d: {  	s23 =	sadd.s32 $0x1A50, s19;
	[dreg:$0x1f] =	wrdreg s4  }
0x1e: {  	s24 =	sadd.s32 $0x1A60, s19;
	[dreg:$0x17] =	wrdreg s23  }
0x1f: {  	s25 =	sadd.s32 $0x1A70, s19;
	[dreg:$0x18] =	wrdreg s24  }
0x20: {  	s26 =	sadd.s32 $0x2A10, s19;
	[dreg:$0x19] =	wrdreg s25  }
0x21: {  	s28 =	sadd.s32 $0x2A20, s19;
	[dreg:$0x1a] =	wrdreg s26  }
0x22: {  	s29 =	sadd.s32 $0x2A30, s19;
	[dreg:$0x1b] =	wrdreg s28  }
0x23: {  	s5 =	sadd.s32 $0x2A70, s19;
	[dreg:$0x1c] =	wrdreg s29  }
0x24: {  	s6 =	sadd.s32 $0x3A10, s19;
	[smem:$0x7EB] =	sst s5  }
0x25: {  	s7 =	sadd.s32 $0x3A20, s19;
	[smem:$0x7EC] =	sst s6  }
0x26: {  	s8 =	sadd.s32 $0x3A30, s19;
	[smem:$0x7ED] =	sst s7  }
0x27: {  	s12 =	sadd.s32 $0x8A00, s19;
	s9 =	sadd.s32 $0x3A40, s19;
	[smem:$0x7EE] =	sst s8  }
0x28: {  	s13 =	sadd.s32 $0x9A00, s19;
	s10 =	sadd.s32 $0x3A50, s19;
	[smem:$0x7EF] =	sst s9  }
0x29: {  	s14 =	sadd.s32 $0xAA00, s19;
	s15 =	sadd.s32 $0x3A60, s19;
	[smem:$0x7F0] =	sst s10  }
0x2a: {  	s30 =	sadd.s32 $0x5A50, s19;
	s16 =	sadd.s32 $0x3A70, s19;
	[smem:$0x7F1] =	sst s15  }
0x2b: {  	s31 =	sadd.s32 $0x5A60, s19;
	s17 =	sadd.s32 $0x4A10, s19;
	[smem:$0x7F2] =	sst s16  }
0x2c: {  	s18 =	sadd.s32 $0x4A20, s19;
	s20 =	sadd.s32 $0x4A30, s19;
	[smem:$0x7F3] =	sst s17  }
0x2d: {  	s21 =	sadd.s32 $0x4A40, s19;
	s22 =	sadd.s32 $0x4A50, s19;
	[smem:$0x7F4] =	sst s18  }
0x2e: {  	s0 =	sadd.s32 $0x5A70, s19;
	s1 =	sadd.s32 $0x6A10, s19;
	[smem:$0x7F5] =	sst s20  }
0x2f: {  	s3 =	sadd.s32 $0x6A20, s19;
	s4 =	sadd.s32 $0x6A30, s19;
	[smem:$0x7F6] =	sst s21  }
0x30: {  	[smem:$0x7F7] =	sst s22;
	s23 =	sadd.s32 $0x4A60, s19;
	s24 =	sadd.s32 $0x4A70, s19  }
0x31: {  	s25 =	sadd.s32 $0x5A10, s19;
	s26 =	sadd.s32 $0x5A20, s19;
	s28 =	sadd.s32 $0x5A30, s19  }
0x32: {  	s29 =	sadd.s32 $0x5A40, s19;
	s5 =	sadd.s32 $0x6A40, s19;
	s6 =	sadd.s32 $0x6A50, s19  }
0x33: {  	s7 =	sadd.s32 $0x6A60, s19;
	s8 =	sadd.s32 $0x6A70, s19;
	[smem:$0x7F8] =	sst s23  }
0x34: {  	s9 =	sadd.s32 $0x7A10, s19;
	s10 =	sadd.s32 $0x7A20, s19;
	[smem:$0x7F9] =	sst s24  }
0x35: {  	s15 =	sadd.s32 $0x7A30, s19;
	s16 =	sadd.s32 $0x7A40, s19;
	[smem:$0x7FA] =	sst s25  }
0x36: {  	s17 =	sadd.s32 $0x7A50, s19;
	s18 =	sadd.s32 $0x7A60, s19;
	[smem:$0x7FB] =	sst s26  }
0x37: {  	s19 =	sadd.s32 $0x7A70, s19;
	s20 =	simm.s32 $0x1;
	[smem:$0x7FC] =	sst s28  }
0x38: {  	v0 =	vimm.s32 $0x0;
	s21 =	simm.s32 $0x2;
	s22 =	simm.s32 $0x0;
	[smem:$0x7FD] =	sst s29  }
.LBB2_1:
0x39: {  	s23 =	rddreg [dreg:$0x3]  }
0x3a: {  	[tilespmem:s2], [sflag:$0x1] =	stream.linear.gather [hbm4b:s23+s2], $0x80, $0x38;
	[tilespmem:$0x3000] =	vst v63  }
0x3b: {  	s26 =	rddreg [dreg:$0xc];
	s24 =	simm.s32 $0x400  }
0x3c: {  	[tilespmem:s24], [sflag:$0x1] =	stream.linear.gather [hbm4b:s26+s2], $0x80, $0x38;
	[tilespmem:$0x3000] =	vst v63  }
0x3d: {  	s25 =	rddreg [dreg:$0xd];
	s26 =	simm.s32 $0x800  }
0x3e: {  	[tilespmem:s26], [sflag:$0x1] =	stream.linear.gather [hbm4b:s25+s2], $0x80, $0x38;
	[tilespmem:$0x3000] =	vst v63  }
0x3f: {  	s25 =	rddreg [dreg:$0xe];
	s26 =	simm.s32 $0xC00  }
0x40: {  	[tilespmem:s26], [sflag:$0x1] =	stream.linear.gather [hbm4b:s25+s2], $0x80, $0x38;
	[tilespmem:$0x3000] =	vst v63  }
0x41: {  	s25 =	rddreg [dreg:$0xf];
	s26 =	simm.s32 $0x1000  }
0x42: {  	[tilespmem:s26], [sflag:$0x1] =	stream.linear.gather [hbm4b:s25+s2], $0x80, $0x38;
	[tilespmem:$0x3000] =	vst v63  }
0x43: {  	s25 =	rddreg [dreg:$0x10];
	s26 =	simm.s32 $0x1400  }
0x44: {  	[tilespmem:s26], [sflag:$0x1] =	stream.linear.gather [hbm4b:s25+s2], $0x80, $0x38;
	[tilespmem:$0x3000] =	vst v63  }
0x45: {  	s25 =	rddreg [dreg:$0x11];
	s26 =	simm.s32 $0x1800  }
0x46: {  	[tilespmem:s26], [sflag:$0x1] =	stream.linear.gather [hbm4b:s25+s2], $0x80, $0x38;
	[tilespmem:$0x3000] =	vst v63  }
0x47: {  	s25 =	rddreg [dreg:$0x12];
	s26 =	simm.s32 $0x1C00  }
0x48: {  	[tilespmem:s26], [sflag:$0x1] =	stream.linear.gather [hbm4b:s25+s2], $0x80, $0x38;
	[tilespmem:$0x3000] =	vst v63  }
0x49: {  	s25 =	rddreg [dreg:$0x4];
	s26 =	simm.s32 $0x80  }
0x4a: {  	[tilespmem:s26], [sflag:$0x1] =	stream.linear.gather [hbm4b:s25+s2], $0x80, $0x38;
	[tilespmem:$0x3000] =	vst v63  }
0x4b: {  	s25 =	rddreg [dreg:$0x13];
	s26 =	simm.s32 $0x480  }
0x4c: {  	[tilespmem:s26], [sflag:$0x1] =	stream.linear.gather [hbm4b:s25+s2], $0x80, $0x38;
	[tilespmem:$0x3000] =	vst v63  }
0x4d: {  	s25 =	rddreg [dreg:$0x14];
	s26 =	simm.s32 $0x880  }
0x4e: {  	[tilespmem:s26], [sflag:$0x1] =	stream.linear.gather [hbm4b:s25+s2], $0x80, $0x38;
	[tilespmem:$0x3000] =	vst v63  }
0x4f: {  	s25 =	rddreg [dreg:$0x15];
	s26 =	simm.s32 $0xC80  }
0x50: {  	[tilespmem:s26], [sflag:$0x1] =	stream.linear.gather [hbm4b:s25+s2], $0x80, $0x38;
	[tilespmem:$0x3000] =	vst v63  }
0x51: {  	s25 =	rddreg [dreg:$0x16];
	s26 =	simm.s32 $0x1080  }
0x52: {  	[tilespmem:s26], [sflag:$0x1] =	stream.linear.gather [hbm4b:s25+s2], $0x80, $0x38;
	[tilespmem:$0x3000] =	vst v63  }
0x53: {  	s25 =	rddreg [dreg:$0x17];
	s26 =	simm.s32 $0x1480  }
0x54: {  	[tilespmem:s26], [sflag:$0x1] =	stream.linear.gather [hbm4b:s25+s2], $0x80, $0x38;
	[tilespmem:$0x3000] =	vst v63  }
0x55: {  	s25 =	rddreg [dreg:$0x18];
	s26 =	simm.s32 $0x1880  }
0x56: {  	[tilespmem:s26], [sflag:$0x1] =	stream.linear.gather [hbm4b:s25+s2], $0x80, $0x38;
	[tilespmem:$0x3000] =	vst v63  }
0x57: {  	s25 =	rddreg [dreg:$0x19];
	s26 =	simm.s32 $0x1C80  }
0x58: {  	[tilespmem:s26], [sflag:$0x1] =	stream.linear.gather [hbm4b:s25+s2], $0x80, $0x38;
	[tilespmem:$0x3000] =	vst v63  }
0x59: {  	s25 =	rddreg [dreg:$0x5];
	s26 =	simm.s32 $0x100  }
0x5a: {  	[tilespmem:s26], [sflag:$0x1] =	stream.linear.gather [hbm4b:s25+s2], $0x80, $0x38;
	[tilespmem:$0x3000] =	vst v63  }
0x5b: {  	s25 =	rddreg [dreg:$0x1a];
	s26 =	simm.s32 $0x500  }
0x5c: {  	[tilespmem:s26], [sflag:$0x1] =	stream.linear.gather [hbm4b:s25+s2], $0x80, $0x38;
	[tilespmem:$0x3000] =	vst v63  }
0x5d: {  	s25 =	rddreg [dreg:$0x1b];
	s26 =	simm.s32 $0x900  }
0x5e: {  	[tilespmem:s26], [sflag:$0x1] =	stream.linear.gather [hbm4b:s25+s2], $0x80, $0x38;
	[tilespmem:$0x3000] =	vst v63  }
0x5f: {  	s25 =	rddreg [dreg:$0x1c];
	s26 =	simm.s32 $0xD00  }
0x60: {  	[tilespmem:s26], [sflag:$0x1] =	stream.linear.gather [hbm4b:s25+s2], $0x80, $0x38;
	[tilespmem:$0x3000] =	vst v63  }
0x61: {  	s25 =	rddreg [dreg:$0x1d];
	s26 =	simm.s32 $0x1100  }
0x62: {  	[tilespmem:s26], [sflag:$0x1] =	stream.linear.gather [hbm4b:s25+s2], $0x80, $0x38;
	[tilespmem:$0x3000] =	vst v63  }
0x63: {  	s25 =	rddreg [dreg:$0x1e];
	s26 =	simm.s32 $0x1500  }
0x64: {  	[tilespmem:s26], [sflag:$0x1] =	stream.linear.gather [hbm4b:s25+s2], $0x80, $0x38;
	[tilespmem:$0x3000] =	vst v63  }
0x65: {  	s25 =	rddreg [dreg:$0x1f];
	s26 =	simm.s32 $0x1900  }
0x66: {  	[tilespmem:s26], [sflag:$0x1] =	stream.linear.gather [hbm4b:s25+s2], $0x80, $0x38;
	[tilespmem:$0x3000] =	vst v63  }
0x67: {  	s25 =	sld [smem:$0x7EB];
	_ =	sdelay $0x1  }
0x68: {  	s26 =	simm.s32 $0x1D00  }
0x69: {  	[tilespmem:s26], [sflag:$0x1] =	stream.linear.gather [hbm4b:s25+s2], $0x80, $0x38;
	[tilespmem:$0x3000] =	vst v63  }
0x6a: {  	s25 =	rddreg [dreg:$0x6];
	s26 =	simm.s32 $0x180  }
0x6b: {  	[tilespmem:s26], [sflag:$0x1] =	stream.linear.gather [hbm4b:s25+s2], $0x80, $0x38;
	[tilespmem:$0x3000] =	vst v63  }
0x6c: {  	s25 =	sld [smem:$0x7EC];
	_ =	sdelay $0x1  }
0x6d: {  	s26 =	simm.s32 $0x580  }
0x6e: {  	[tilespmem:s26], [sflag:$0x1] =	stream.linear.gather [hbm4b:s25+s2], $0x80, $0x38;
	[tilespmem:$0x3000] =	vst v63  }
0x6f: {  	s25 =	sld [smem:$0x7ED];
	_ =	sdelay $0x1  }
0x70: {  	s26 =	simm.s32 $0x980  }
0x71: {  	[tilespmem:s26], [sflag:$0x1] =	stream.linear.gather [hbm4b:s25+s2], $0x80, $0x38;
	[tilespmem:$0x3000] =	vst v63  }
0x72: {  	s25 =	sld [smem:$0x7EE];
	_ =	sdelay $0x1  }
0x73: {  	s26 =	simm.s32 $0xD80  }
0x74: {  	[tilespmem:s26], [sflag:$0x1] =	stream.linear.gather [hbm4b:s25+s2], $0x80, $0x38;
	[tilespmem:$0x3000] =	vst v63  }
0x75: {  	s25 =	sld [smem:$0x7EF];
	_ =	sdelay $0x1  }
0x76: {  	s26 =	simm.s32 $0x1180  }
0x77: {  	[tilespmem:s26], [sflag:$0x1] =	stream.linear.gather [hbm4b:s25+s2], $0x80, $0x38;
	[tilespmem:$0x3000] =	vst v63  }
0x78: {  	s25 =	sld [smem:$0x7F0];
	_ =	sdelay $0x1  }
0x79: {  	s26 =	simm.s32 $0x1580  }
0x7a: {  	[tilespmem:s26], [sflag:$0x1] =	stream.linear.gather [hbm4b:s25+s2], $0x80, $0x38;
	[tilespmem:$0x3000] =	vst v63  }
0x7b: {  	s25 =	sld [smem:$0x7F1];
	_ =	sdelay $0x1  }
0x7c: {  	s26 =	simm.s32 $0x1980  }
0x7d: {  	[tilespmem:s26], [sflag:$0x1] =	stream.linear.gather [hbm4b:s25+s2], $0x80, $0x38;
	[tilespmem:$0x3000] =	vst v63  }
0x7e: {  	s25 =	sld [smem:$0x7F2];
	_ =	sdelay $0x1  }
0x7f: {  	s26 =	simm.s32 $0x1D80  }
0x80: {  	[tilespmem:s26], [sflag:$0x1] =	stream.linear.gather [hbm4b:s25+s2], $0x80, $0x38;
	[tilespmem:$0x3000] =	vst v63  }
0x81: {  	s25 =	rddreg [dreg:$0x7];
	s26 =	simm.s32 $0x200  }
0x82: {  	[tilespmem:s26], [sflag:$0x1] =	stream.linear.gather [hbm4b:s25+s2], $0x80, $0x38;
	[tilespmem:$0x3000] =	vst v63  }
0x83: {  	s25 =	sld [smem:$0x7F3];
	_ =	sdelay $0x1  }
0x84: {  	s26 =	simm.s32 $0x600  }
0x85: {  	[tilespmem:s26], [sflag:$0x1] =	stream.linear.gather [hbm4b:s25+s2], $0x80, $0x38;
	[tilespmem:$0x3000] =	vst v63  }
0x86: {  	s25 =	sld [smem:$0x7F4];
	_ =	sdelay $0x1  }
0x87: {  	s26 =	simm.s32 $0xA00  }
0x88: {  	[tilespmem:s26], [sflag:$0x1] =	stream.linear.gather [hbm4b:s25+s2], $0x80, $0x38;
	[tilespmem:$0x3000] =	vst v63  }
0x89: {  	s25 =	sld [smem:$0x7F5];
	_ =	sdelay $0x1  }
0x8a: {  	s26 =	simm.s32 $0xE00  }
0x8b: {  	[tilespmem:s26], [sflag:$0x1] =	stream.linear.gather [hbm4b:s25+s2], $0x80, $0x38;
	[tilespmem:$0x3000] =	vst v63  }
0x8c: {  	s25 =	sld [smem:$0x7F6];
	_ =	sdelay $0x1  }
0x8d: {  	s26 =	simm.s32 $0x1200  }
0x8e: {  	[tilespmem:s26], [sflag:$0x1] =	stream.linear.gather [hbm4b:s25+s2], $0x80, $0x38;
	[tilespmem:$0x3000] =	vst v63  }
0x8f: {  	s25 =	sld [smem:$0x7F7];
	_ =	sdelay $0x1  }
0x90: {  	s26 =	simm.s32 $0x1600  }
0x91: {  	[tilespmem:s26], [sflag:$0x1] =	stream.linear.gather [hbm4b:s25+s2], $0x80, $0x38;
	[tilespmem:$0x3000] =	vst v63  }
0x92: {  	s25 =	sld [smem:$0x7F8];
	_ =	sdelay $0x1  }
0x93: {  	s26 =	simm.s32 $0x1A00  }
0x94: {  	[tilespmem:s26], [sflag:$0x1] =	stream.linear.gather [hbm4b:s25+s2], $0x80, $0x38;
	[tilespmem:$0x3000] =	vst v63  }
0x95: {  	s25 =	sld [smem:$0x7F9];
	_ =	sdelay $0x1  }
0x96: {  	s26 =	simm.s32 $0x1E00  }
0x97: {  	[tilespmem:s26], [sflag:$0x1] =	stream.linear.gather [hbm4b:s25+s2], $0x80, $0x38;
	[tilespmem:$0x3000] =	vst v63  }
0x98: {  	s25 =	rddreg [dreg:$0x8];
	s26 =	simm.s32 $0x280  }
0x99: {  	[tilespmem:s26], [sflag:$0x1] =	stream.linear.gather [hbm4b:s25+s2], $0x80, $0x38;
	[tilespmem:$0x3000] =	vst v63  }
0x9a: {  	s25 =	sld [smem:$0x7FA];
	_ =	sdelay $0x1  }
0x9b: {  	s26 =	simm.s32 $0x680  }
0x9c: {  	[tilespmem:s26], [sflag:$0x1] =	stream.linear.gather [hbm4b:s25+s2], $0x80, $0x38;
	[tilespmem:$0x3000] =	vst v63  }
0x9d: {  	s25 =	sld [smem:$0x7FB];
	_ =	sdelay $0x1  }
0x9e: {  	s26 =	simm.s32 $0xA80  }
0x9f: {  	[tilespmem:s26], [sflag:$0x1] =	stream.linear.gather [hbm4b:s25+s2], $0x80, $0x38;
	[tilespmem:$0x3000] =	vst v63  }
0xa0: {  	s25 =	sld [smem:$0x7FC];
	_ =	sdelay $0x1  }
0xa1: {  	s26 =	simm.s32 $0xE80  }
0xa2: {  	[tilespmem:s26], [sflag:$0x1] =	stream.linear.gather [hbm4b:s25+s2], $0x80, $0x38;
	[tilespmem:$0x3000] =	vst v63  }
0xa3: {  	s25 =	sld [smem:$0x7FD];
	_ =	sdelay $0x1  }
0xa4: {  	s26 =	simm.s32 $0x1280  }
0xa5: {  	[tilespmem:s26], [sflag:$0x1] =	stream.linear.gather [hbm4b:s25+s2], $0x80, $0x38;
	[tilespmem:$0x3000] =	vst v63  }
0xa6: {  	s24 =	simm.s32 $0x1680  }
0xa7: {  	[tilespmem:s24], [sflag:$0x1] =	stream.linear.gather [hbm4b:s30+s2], $0x80, $0x38;
	[tilespmem:$0x3000] =	vst v63  }
0xa8: {  	s25 =	simm.s32 $0x1A80  }
0xa9: {  	[tilespmem:s25], [sflag:$0x1] =	stream.linear.gather [hbm4b:s31+s2], $0x80, $0x38;
	[tilespmem:$0x3000] =	vst v63  }
0xaa: {  	s26 =	simm.s32 $0x1E80  }
0xab: {  	[tilespmem:s26], [sflag:$0x1] =	stream.linear.gather [hbm4b:s0+s2], $0x80, $0x38;
	[tilespmem:$0x3000] =	vst v63  }
0xac: {  	s24 =	rddreg [dreg:$0x9];
	s25 =	simm.s32 $0x300  }
0xad: {  	[tilespmem:s25], [sflag:$0x1] =	stream.linear.gather [hbm4b:s24+s2], $0x80, $0x38;
	[tilespmem:$0x3000] =	vst v63  }
0xae: {  	s26 =	simm.s32 $0x700  }
0xaf: {  	[tilespmem:s26], [sflag:$0x1] =	stream.linear.gather [hbm4b:s1+s2], $0x80, $0x38;
	[tilespmem:$0x3000] =	vst v63  }
0xb0: {  	s24 =	simm.s32 $0xB00  }
0xb1: {  	[tilespmem:s24], [sflag:$0x1] =	stream.linear.gather [hbm4b:s3+s2], $0x80, $0x38;
	[tilespmem:$0x3000] =	vst v63  }
0xb2: {  	s25 =	simm.s32 $0xF00  }
0xb3: {  	[tilespmem:s25], [sflag:$0x1] =	stream.linear.gather [hbm4b:s4+s2], $0x80, $0x38;
	[tilespmem:$0x3000] =	vst v63  }
0xb4: {  	s26 =	simm.s32 $0x1300  }
0xb5: {  	[tilespmem:s26], [sflag:$0x1] =	stream.linear.gather [hbm4b:s5+s2], $0x80, $0x38;
	[tilespmem:$0x3000] =	vst v63  }
0xb6: {  	s24 =	simm.s32 $0x1700  }
0xb7: {  	[tilespmem:s24], [sflag:$0x1] =	stream.linear.gather [hbm4b:s6+s2], $0x80, $0x38;
	[tilespmem:$0x3000] =	vst v63  }
0xb8: {  	s25 =	simm.s32 $0x1B00  }
0xb9: {  	[tilespmem:s25], [sflag:$0x1] =	stream.linear.gather [hbm4b:s7+s2], $0x80, $0x38;
	[tilespmem:$0x3000] =	vst v63  }
0xba: {  	s26 =	simm.s32 $0x1F00  }
0xbb: {  	[tilespmem:s26], [sflag:$0x1] =	stream.linear.gather [hbm4b:s8+s2], $0x80, $0x38;
	[tilespmem:$0x3000] =	vst v63  }
0xbc: {  	s24 =	rddreg [dreg:$0xa];
	s25 =	simm.s32 $0x380  }
0xbd: {  	[tilespmem:s25], [sflag:$0x1] =	stream.linear.gather [hbm4b:s24+s2], $0x80, $0x38;
	[tilespmem:$0x3000] =	vst v63  }
0xbe: {  	s26 =	simm.s32 $0x780  }
0xbf: {  	[tilespmem:s26], [sflag:$0x1] =	stream.linear.gather [hbm4b:s9+s2], $0x80, $0x38;
	[tilespmem:$0x3000] =	vst v63  }
0xc0: {  	s24 =	simm.s32 $0xB80  }
0xc1: {  	[tilespmem:s24], [sflag:$0x1] =	stream.linear.gather [hbm4b:s10+s2], $0x80, $0x38;
	[tilespmem:$0x3000] =	vst v63  }
0xc2: {  	s25 =	simm.s32 $0xF80  }
0xc3: {  	[tilespmem:s25], [sflag:$0x1] =	stream.linear.gather [hbm4b:s15+s2], $0x80, $0x38;
	[tilespmem:$0x3000] =	vst v63  }
0xc4: {  	s26 =	simm.s32 $0x1380  }
0xc5: {  	[tilespmem:s26], [sflag:$0x1] =	stream.linear.gather [hbm4b:s16+s2], $0x80, $0x38;
	[tilespmem:$0x3000] =	vst v63  }
0xc6: {  	s24 =	simm.s32 $0x1780  }
0xc7: {  	[tilespmem:s24], [sflag:$0x1] =	stream.linear.gather [hbm4b:s17+s2], $0x80, $0x38;
	[tilespmem:$0x3000] =	vst v63  }
0xc8: {  	s25 =	simm.s32 $0x1B80  }
0xc9: {  	[tilespmem:s25], [sflag:$0x1] =	stream.linear.gather [hbm4b:s18+s2], $0x80, $0x38;
	[tilespmem:$0x3000] =	vst v63  }
0xca: {  	s26 =	simm.s32 $0x1F80  }
0xcb: {  	[tilespmem:s26], [sflag:$0x1] =	stream.linear.gather [hbm4b:s19+s2], $0x80, $0x38;
	[tilespmem:$0x3000] =	vst v63  }
0xcc: {  	_ =	swait.ge [sflag:s20], $0x400  }
0xcd: {  	[sflag:s20] =	ssyncset.done $0x0  }
0xce: {  	[sflag:s20] =	ssyncadd.s32 $0xFFFFFC00  }
0xcf: {  	_ =	swait.ge [sflag:s20], $0x400  }
0xd0: {  	[sflag:s20] =	ssyncset.done $0x0  }
0xd1: {  	[sflag:s20] =	ssyncadd.s32 $0xFFFFFC00  }
0xd2: {  	_ =	swait.ge [sflag:s20], $0x400  }
0xd3: {  	[sflag:s20] =	ssyncset.done $0x0  }
0xd4: {  	[sflag:s20] =	ssyncadd.s32 $0xFFFFFC00  }
0xd5: {  	_ =	swait.ge [sflag:s20], $0x400  }
0xd6: {  	[sflag:s20] =	ssyncset.done $0x0  }
0xd7: {  	[sflag:s20] =	ssyncadd.s32 $0xFFFFFC00  }
0xd8: {  	_ =	swait.ge [sflag:s20], $0x400  }
0xd9: {  	[sflag:s20] =	ssyncset.done $0x0  }
0xda: {  	[sflag:s20] =	ssyncadd.s32 $0xFFFFFC00  }
0xdb: {  	_ =	swait.ge [sflag:s20], $0x400  }
0xdc: {  	[sflag:s20] =	ssyncset.done $0x0  }
0xdd: {  	[sflag:s20] =	ssyncadd.s32 $0xFFFFFC00  }
0xde: {  	_ =	swait.ge [sflag:s20], $0x400  }
0xdf: {  	[sflag:s20] =	ssyncset.done $0x0  }
0xe0: {  	[sflag:s20] =	ssyncadd.s32 $0xFFFFFC00  }
0xe1: {  	s23 =	simm.s32 $0x0;
	_ =	swait.ge [sflag:s20], $0x400  }
0xe2: {  	s24 =	sand.u32 $0x3FFFFC00, s23;
	s25 =	sand.u32 $0x70, s2;
	[sflag:s20] =	ssyncset.done $0x0  }
0xe3: {  	s24 =	sor.u32 s25, s24;
	[sflag:s20] =	ssyncadd.s32 $0xFFFFFC00  }
0xe4: {  	v1 =	vld [tilespmem:s24+$0x0]  }
0xe5: {  	v2 =	vld [tilespmem:s24+$0x80];
	_ =	sdelay $0x2  }
0xe6: {  	v3 =	vld [tilespmem:s24+$0x100];
	_ =	sdelay $0x1  }
0xe7: {  	v4 =	vld [tilespmem:s24+$0x180];
	vm6 =	vgt.f32 v2, v1  }
0xe8: {  	vm7 =	vmneg vm6  }
0xe9: {  	v5 =	vld [tilespmem:s24+$0x200];
	v6 =	vsel vm7, v1, v2  }
0xea: {  	vm5 =	vgt.f32 v3, v6  }
0xeb: {  	v7 =	vld [tilespmem:s24+$0x280];
	v8 =	vsel vm5, v3, v6  }
0xec: {  	vm2 =	vgt.f32 v4, v8  }
0xed: {  	v9 =	vld [tilespmem:s24+$0x300];
	v10 =	vsel vm2, v4, v8  }
0xee: {  	vm3 =	vgt.f32 v5, v10  }
0xef: {  	v11 =	vld [tilespmem:s24+$0x380];
	v12 =	vsel vm3, v5, v10  }
0xf0: {  	vm4 =	vgt.f32 v7, v12  }
0xf1: {  	v13 =	vsel vm4, v7, v12  }
0xf2: {  	vm1 =	vgt.f32 v9, v13  }
0xf3: {  	v14 =	vsel vm1, v9, v13  }
0xf4: {  	vm0 =	vgt.f32 v11, v14  }
0xf5: {  	v15 =	vsel vm0, v11, v14  }
0xf6: {  	v16 =	vsub.f32 v1, v15;
	_ =	sdelay $0x1  }
0xf7: {  	v17 =	vsub.f32 v2, v15;
	v16 =	vmul.f32 $1.442695020e+00, v16  }
0xf8: {  	vm8 =	vlt.f32 v2, $-Inf  }
0xf9: {  	vm9 =	vgt.f32 v2, $-Inf;
	v17 =	vmul.f32 $1.442695020e+00, v17;
	(erf) = vpow2.f32 v16  }
0xfa: {  	vm8 =	vmor vm9, vm8;
	v18 =	vsub.f32 v3, v15  }
0xfb: {  	v2 =	vnsel vm8, $0xFF800000, v2;
	(erf) = vpow2.f32 v17  }
0xfc: {  	v56 =	vsub.f32 v4, v15;
	v1 =	vsel vm7, v2, v1;
	v18 =	vmul.f32 $1.442695020e+00, v18  }
0xfd: {  	v2 =	vsub.f32 v5, v15;
	vm9 =	vgt.f32 v3, v1  }
0xfe: {  	v1 =	vsel vm9, v3, v1;
	v16 =	vmul.f32 $1.442695020e+00, v56;
	(erf) = vpow2.f32 v18  }
0xff: {  	v3 =	vsub.f32 v7, v15;
	v1 =	vsel vm5, v6, v1  }
0x100: {  	v2 =	vmul.f32 $1.442695020e+00, v2;
	vm10 =	vgt.f32 v4, v1;
	(erf) = vpow2.f32 v16  }
0x101: {  	v3 =	vmul.f32 $1.442695020e+00, v3;
	v1 =	vsel vm10, v4, v1  }
0x102: {  	v57 =	vsub.f32 v9, v15;
	v1 =	vsel vm2, v8, v1;
	(erf) = vpow2.f32 v2;
	v59 =	vpop (erf)  }
0x103: {  	vm11 =	vgt.f32 v5, v1;
	(erf) = vpow2.f32 v3;
	v3 =	vadd.f32 $0.0e+00, v59  }
0x104: {  	v58 =	vmul.f32 $1.442695020e+00, v57;
	v2 =	vsub.f32 v11, v15;
	v1 =	vsel vm11, v5, v1;
	v60 =	vpop (erf)  }
0x105: {  	v1 =	vsel vm3, v10, v1;
	v3 =	vadd.f32 v3, v60  }
0x106: {  	v2 =	vmul.f32 $1.442695020e+00, v2;
	vm12 =	vgt.f32 v7, v1;
	(erf) = vpow2.f32 v58  }
0x107: {  	v1 =	vsel vm12, v7, v1;
	v61 =	vpop (erf)  }
0x108: {  	v1 =	vsel vm4, v12, v1;
	(erf) = vpow2.f32 v2;
	v2 =	vadd.f32 v3, v61  }
0x109: {  	vm13 =	vgt.f32 v9, v1;
	v3 =	vpop (erf)  }
0x10a: {  	v1 =	vsel vm13, v9, v1;
	v2 =	vadd.f32 v2, v3  }
0x10b: {  	v1 =	vsel vm1, v13, v1;
	v3 =	vpop (erf)  }
0x10c: {  	vm14 =	vgt.f32 v11, v1;
	v2 =	vadd.f32 v2, v3  }
0x10d: {  	v1 =	vsel vm14, v11, v1;
	v3 =	vpop (erf)  }
0x10e: {  	vm7 =	vmand vm7, vm8;
	v1 =	vsel vm0, v14, v1;
	v2 =	vadd.f32 v2, v3  }
0x10f: {  	v62 =	vsel vm7, $0x1, v0;
	v1 =	vsub.f32 v1, v15;
	v3 =	vpop (erf)  }
0x110: {  	v4 =	vsel vm9, $0x2, v62;
	v2 =	vadd.f32 v2, v3;
	v3 =	vsel vm6, $0x1, v0  }
0x111: {  	v1 =	vmul.f32 $1.442695020e+00, v1;
	v63 =	vpop (erf);
	v4 =	vsel vm5, v3, v4  }
0x112: {  	v3 =	vsel vm5, $0x2, v3;
	v2 =	vadd.f32 v2, v63;
	v4 =	vsel vm10, $0x3, v4  }
0x113: {  	(erf) = vpow2.f32 v1;
	v1 =	vsel vm2, v3, v4  }
0x114: {  	(erf) = vrcp.f32 v2;
	v2 =	vsel vm2, $0x3, v3;
	v1 =	vsel vm11, $0x4, v1  }
0x115: {  	v1 =	vsel vm3, v2, v1  }
0x116: {  	v2 =	vsel vm3, $0x4, v2;
	v1 =	vsel vm12, $0x5, v1  }
0x117: {  	v1 =	vsel vm4, v2, v1;
	v2 =	vsel vm4, $0x5, v2  }
0x118: {  	v1 =	vsel vm13, $0x6, v1;
	v3 =	vsel vm1, $0x6, v2  }
0x119: {  	s26 =	simm.s32 $0x0;
	v1 =	vsel vm1, v2, v1;
	v2 =	vsel vm0, $0x7, v3  }
0x11a: {  	s24 =	sand.u32 $0xFFFFFF00, s26  }
0x11b: {  	s28 =	sor.u32 s25, s24  }
0x11c: {  	v1 =	vsel vm14, $0x7, v1;
	[tilespmem:s28+$0x2800] =	vst v2;
	v2 =	vpop (erf)  }
0x11d: {  	v1 =	vsel vm0, v3, v1;
	v3 =	vpop (erf)  }
0x11e: {  	s23 =	simm.s32 $0x1;
	s25 =	simm.s32 $0x80;
	s24 =	simm.s32 $0x10;
	[tilespmem:s28+$0x2880] =	vst v1;
	v1 =	vmul.f32 v3, v2  }
0x11f: {  	s26 =	sand.u32 $0x70, s24;
	s29 =	sand.u32 $0x3FFFFC00, s25;
	s25 =	simm.s32 $0x2;
	[tilespmem:s28+$0x2000] =	vst v3  }
.LBB2_2:
0x120: {  	p0 =	sne.s32 s25, $0x3F;
	s29 =	sor.u32 s26, s29;
	[tilespmem:s28+$0x2080] =	vst v1  }
0x121: {  	v2 =	vld [tilespmem:s29+$0x0]  }
0x122: {  	v3 =	vld [tilespmem:s29+$0x80]  }
0x123: {  	v4 =	vld [tilespmem:s29+$0x280]  }
0x124: {  	v5 =	vld [tilespmem:s29+$0x200]  }
0x125: {  	v6 =	vld [tilespmem:s29+$0x100]  }
0x126: {  	v7 =	vld [tilespmem:s29+$0x180]  }
0x127: {  	v1 =	vld [tilespmem:s29+$0x380];
	vm0 =	vgt.f32 v3, v2  }
0x128: {  	v8 =	vld [tilespmem:s29+$0x300];
	vm6 =	vmneg vm0;
	v9 =	vsel vm0, $0x1, v0  }
0x129: {  	v10 =	vsel vm6, v2, v3  }
0x12a: {  	vm5 =	vgt.f32 v6, v10  }
0x12b: {  	v11 =	vsel vm5, v6, v10;
	v12 =	vsel vm5, $0x2, v9  }
0x12c: {  	vm4 =	vgt.f32 v7, v11  }
0x12d: {  	v13 =	vsel vm4, v7, v11;
	v14 =	vsel vm4, $0x3, v12  }
0x12e: {  	vm3 =	vgt.f32 v5, v13  }
0x12f: {  	v15 =	vsel vm3, v5, v13;
	v16 =	vsel vm3, $0x4, v14  }
0x130: {  	vm2 =	vgt.f32 v4, v15  }
0x131: {  	v17 =	vsel vm2, v4, v15;
	v18 =	vsel vm2, $0x5, v16  }
0x132: {  	vm1 =	vgt.f32 v8, v17  }
0x133: {  	s28 =	sshll.u32 s23, $0x5;
	s23 =	smov.u32 s25;
	v19 =	vsel vm1, v8, v17;
	v20 =	vsel vm1, $0x6, v18  }
0x134: {  	s28 =	sand.u32 $0xFFFFFF00, s28;
	vm0 =	vgt.f32 v1, v19  }
0x135: {  	s28 =	sor.u32 s26, s28;
	v21 =	vsel vm0, v1, v19;
	v22 =	vsel vm0, $0x7, v20  }
0x136: {  	v23 =	vsub.f32 v2, v21;
	v24 =	vsub.f32 v3, v21;
	[tilespmem:s28+$0x2800] =	vst v22  }
0x137: {  	v22 =	vsub.f32 v6, v21;
	v25 =	vsub.f32 v7, v21  }
0x138: {  	v26 =	vsub.f32 v5, v21;
	v27 =	vsub.f32 v4, v21;
	v23 =	vmul.f32 $1.442695020e+00, v23  }
0x139: {  	vm7 =	vlt.f32 v3, $-Inf;
	vm8 =	vgt.f32 v3, $-Inf;
	v28 =	vsub.f32 v8, v21  }
0x13a: {  	vm7 =	vmor vm8, vm7;
	v24 =	vmul.f32 $1.442695020e+00, v24;
	(erf) = vpow2.f32 v23  }
0x13b: {  	v3 =	vnsel vm7, $0xFF800000, v3;
	vm7 =	vmand vm6, vm7;
	v22 =	vmul.f32 $1.442695020e+00, v22  }
0x13c: {  	v2 =	vsel vm6, v3, v2;
	v3 =	vsel vm7, $0x1, v0;
	(erf) = vpow2.f32 v24  }
0x13d: {  	vm6 =	vgt.f32 v6, v2;
	v23 =	vmul.f32 $1.442695020e+00, v25;
	v24 =	vsub.f32 v1, v21  }
0x13e: {  	v2 =	vsel vm6, v6, v2;
	v3 =	vsel vm6, $0x2, v3;
	(erf) = vpow2.f32 v22  }
0x13f: {  	v2 =	vsel vm5, v10, v2;
	v3 =	vsel vm5, v9, v3  }
0x140: {  	v6 =	vmul.f32 $1.442695020e+00, v26;
	vm5 =	vgt.f32 v7, v2;
	(erf) = vpow2.f32 v23  }
0x141: {  	v2 =	vsel vm5, v7, v2;
	v3 =	vsel vm5, $0x3, v3;
	v7 =	vmul.f32 $1.442695020e+00, v27  }
0x142: {  	v2 =	vsel vm4, v11, v2;
	v3 =	vsel vm4, v12, v3;
	(erf) = vpow2.f32 v6  }
0x143: {  	vm4 =	vgt.f32 v5, v2;
	v6 =	vmul.f32 $1.442695020e+00, v28;
	v9 =	vpop (erf);
	(erf) = vpow2.f32 v7  }
0x144: {  	v2 =	vsel vm4, v5, v2;
	v3 =	vsel vm4, $0x4, v3;
	v5 =	vadd.f32 $0.0e+00, v9  }
0x145: {  	v2 =	vsel vm3, v13, v2;
	v3 =	vsel vm3, v14, v3;
	v7 =	vmul.f32 $1.442695020e+00, v24;
	v9 =	vpop (erf)  }
0x146: {  	vm3 =	vgt.f32 v4, v2;
	v9 =	vadd.f32 v5, v9;
	(erf) = vpow2.f32 v6  }
0x147: {  	v2 =	vsel vm3, v4, v2;
	v3 =	vsel vm3, $0x5, v3;
	v4 =	vpop (erf);
	(erf) = vpow2.f32 v7  }
0x148: {  	v2 =	vsel vm2, v15, v2;
	v3 =	vsel vm2, v16, v3;
	v4 =	vadd.f32 v9, v4  }
0x149: {  	vm2 =	vgt.f32 v8, v2;
	v5 =	vpop (erf)  }
0x14a: {  	v2 =	vsel vm2, v8, v2;
	v3 =	vsel vm2, $0x6, v3;
	v4 =	vadd.f32 v4, v5  }
0x14b: {  	v2 =	vsel vm1, v17, v2;
	v3 =	vsel vm1, v18, v3;
	v5 =	vpop (erf)  }
0x14c: {  	vm1 =	vgt.f32 v1, v2;
	v4 =	vadd.f32 v4, v5;
	v5 =	vpop (erf)  }
0x14d: {  	v1 =	vsel vm1, v1, v2;
	v3 =	vsel vm1, $0x7, v3  }
0x14e: {  	v1 =	vsel vm0, v19, v1;
	v6 =	vsel vm0, v20, v3;
	v4 =	vadd.f32 v4, v5  }
0x14f: {  	v1 =	vsub.f32 v1, v21;
	[tilespmem:s28+$0x2880] =	vst v6;
	v2 =	vpop (erf)  }
0x150: {  	v2 =	vadd.f32 v4, v2;
	v3 =	vpop (erf)  }
0x151: {  	v1 =	vmul.f32 $1.442695020e+00, v1  }
0x152: {  	v2 =	vadd.f32 v2, v3  }
0x153: {  	(erf) = vpow2.f32 v1  }
0x154: {  	(erf) = vrcp.f32 v2;
	_ =	sdelay $0x6  }
.Ltmp0:
0x155: {  	(pc) =	sbr.rel @p0 .LBB2_2-.Ltmp0, $4  }
0x156: {  	v1 =	vpop (erf)  }
0x157: {  	v2 =	vpop (erf)  }
0x158: {  	s24 =	sadd.s32 $0x10, s24;
	s29 =	sshll.u32 s25, $0x7;
	v1 =	vmul.f32 v2, v1;
	[tilespmem:s28+$0x2000] =	vst v2  }
0x159: {  	s26 =	sand.u32 $0x70, s24;
	s25 =	sadd.s32 $0x1, s25;
	s29 =	sand.u32 $0x3FFFFC00, s29  }
0x15a: {  	[tilespmem:s28+$0x2080] =	vst v1;
	s24 =	sor.u32 s26, s29  }
0x15b: {  	v1 =	vld [tilespmem:s24+$0x0]  }
0x15c: {  	v2 =	vld [tilespmem:s24+$0x80];
	_ =	sdelay $0x2  }
0x15d: {  	v3 =	vld [tilespmem:s24+$0x100];
	_ =	sdelay $0x1  }
0x15e: {  	v4 =	vld [tilespmem:s24+$0x180];
	vm6 =	vgt.f32 v2, v1  }
0x15f: {  	vm7 =	vmneg vm6  }
0x160: {  	v5 =	vld [tilespmem:s24+$0x200];
	v6 =	vsel vm7, v1, v2  }
0x161: {  	vm5 =	vgt.f32 v3, v6  }
0x162: {  	v7 =	vld [tilespmem:s24+$0x280];
	v8 =	vsel vm5, v3, v6  }
0x163: {  	vm2 =	vgt.f32 v4, v8  }
0x164: {  	v9 =	vld [tilespmem:s24+$0x300];
	v10 =	vsel vm2, v4, v8  }
0x165: {  	vm3 =	vgt.f32 v5, v10  }
0x166: {  	v11 =	vld [tilespmem:s24+$0x380];
	v12 =	vsel vm3, v5, v10  }
0x167: {  	vm4 =	vgt.f32 v7, v12  }
0x168: {  	v13 =	vsel vm4, v7, v12  }
0x169: {  	vm1 =	vgt.f32 v9, v13  }
0x16a: {  	v14 =	vsel vm1, v9, v13  }
0x16b: {  	vm0 =	vgt.f32 v11, v14  }
0x16c: {  	v15 =	vsel vm0, v11, v14  }
0x16d: {  	v16 =	vsub.f32 v1, v15;
	_ =	sdelay $0x1  }
0x16e: {  	v17 =	vsub.f32 v2, v15;
	v16 =	vmul.f32 $1.442695020e+00, v16  }
0x16f: {  	vm8 =	vlt.f32 v2, $-Inf  }
0x170: {  	vm9 =	vgt.f32 v2, $-Inf;
	v17 =	vmul.f32 $1.442695020e+00, v17;
	(erf) = vpow2.f32 v16  }
0x171: {  	vm8 =	vmor vm9, vm8;
	v18 =	vsub.f32 v3, v15  }
0x172: {  	v2 =	vnsel vm8, $0xFF800000, v2;
	(erf) = vpow2.f32 v17  }
0x173: {  	v55 =	vsub.f32 v4, v15;
	v1 =	vsel vm7, v2, v1;
	v18 =	vmul.f32 $1.442695020e+00, v18  }
0x174: {  	v2 =	vsub.f32 v5, v15;
	vm9 =	vgt.f32 v3, v1  }
0x175: {  	v1 =	vsel vm9, v3, v1;
	v16 =	vmul.f32 $1.442695020e+00, v55;
	(erf) = vpow2.f32 v18  }
0x176: {  	v3 =	vsub.f32 v7, v15;
	v1 =	vsel vm5, v6, v1  }
0x177: {  	v2 =	vmul.f32 $1.442695020e+00, v2;
	vm10 =	vgt.f32 v4, v1;
	(erf) = vpow2.f32 v16  }
0x178: {  	v3 =	vmul.f32 $1.442695020e+00, v3;
	v1 =	vsel vm10, v4, v1  }
0x179: {  	v56 =	vsub.f32 v9, v15;
	v1 =	vsel vm2, v8, v1;
	(erf) = vpow2.f32 v2;
	v58 =	vpop (erf)  }
0x17a: {  	vm11 =	vgt.f32 v5, v1;
	(erf) = vpow2.f32 v3;
	v3 =	vadd.f32 $0.0e+00, v58  }
0x17b: {  	v57 =	vmul.f32 $1.442695020e+00, v56;
	v2 =	vsub.f32 v11, v15;
	v1 =	vsel vm11, v5, v1;
	v59 =	vpop (erf)  }
0x17c: {  	v1 =	vsel vm3, v10, v1;
	v3 =	vadd.f32 v3, v59  }
0x17d: {  	v2 =	vmul.f32 $1.442695020e+00, v2;
	vm12 =	vgt.f32 v7, v1;
	(erf) = vpow2.f32 v57  }
0x17e: {  	v1 =	vsel vm12, v7, v1;
	v60 =	vpop (erf)  }
0x17f: {  	v1 =	vsel vm4, v12, v1;
	(erf) = vpow2.f32 v2;
	v2 =	vadd.f32 v3, v60  }
0x180: {  	vm13 =	vgt.f32 v9, v1;
	v3 =	vpop (erf)  }
0x181: {  	v1 =	vsel vm13, v9, v1;
	v2 =	vadd.f32 v2, v3  }
0x182: {  	v1 =	vsel vm1, v13, v1;
	v3 =	vpop (erf)  }
0x183: {  	vm14 =	vgt.f32 v11, v1;
	v2 =	vadd.f32 v2, v3  }
0x184: {  	v1 =	vsel vm14, v11, v1;
	v3 =	vpop (erf)  }
0x185: {  	v1 =	vsel vm0, v14, v1;
	v2 =	vadd.f32 v2, v3  }
0x186: {  	vm7 =	vmand vm7, vm8;
	v1 =	vsub.f32 v1, v15;
	v3 =	vpop (erf)  }
0x187: {  	v2 =	vadd.f32 v2, v3;
	v3 =	vsel vm7, $0x1, v0  }
0x188: {  	v62 =	vsel vm6, $0x1, v0;
	v1 =	vmul.f32 $1.442695020e+00, v1;
	v61 =	vpop (erf);
	v3 =	vsel vm9, $0x2, v3  }
0x189: {  	v2 =	vadd.f32 v2, v61;
	v3 =	vsel vm5, v62, v3  }
0x18a: {  	(erf) = vpow2.f32 v1;
	v1 =	vsel vm5, $0x2, v62;
	v3 =	vsel vm10, $0x3, v3  }
0x18b: {  	(erf) = vrcp.f32 v2;
	v2 =	vsel vm2, v1, v3  }
0x18c: {  	v1 =	vsel vm2, $0x3, v1;
	v2 =	vsel vm11, $0x4, v2  }
0x18d: {  	v2 =	vsel vm3, v1, v2  }
0x18e: {  	v1 =	vsel vm3, $0x4, v1;
	v2 =	vsel vm12, $0x5, v2  }
0x18f: {  	v2 =	vsel vm4, v1, v2;
	v1 =	vsel vm4, $0x5, v1  }
0x190: {  	v2 =	vsel vm13, $0x6, v2;
	v3 =	vsel vm1, $0x6, v1  }
0x191: {  	s23 =	sshll.u32 s23, $0x5;
	v1 =	vsel vm1, v1, v2;
	v2 =	vsel vm0, $0x7, v3  }
0x192: {  	s23 =	sand.u32 $0xFFFFFF00, s23  }
0x193: {  	s23 =	sor.u32 s26, s23;
	v63 =	vpop (erf);
	v1 =	vsel vm14, $0x7, v1  }
0x194: {  	[tilespmem:s23+$0x2800] =	vst v2;
	v1 =	vsel vm0, v3, v1;
	v2 =	vpop (erf)  }
0x195: {  	[tilespmem:s23+$0x2880] =	vst v1;
	v1 =	vmul.f32 v2, v63  }
0x196: {  	[tilespmem:s23+$0x2000] =	vst v2  }
0x197: {  	s24 =	simm.s32 $0x2000;
	[tilespmem:s23+$0x2080] =	vst v1  }
0x198: {  	[hbm4b:s11+s2] =	stream.linear.scatter [tilespmem:s24], [sflag:$0x2], $0x80, $0x38;
	[tilespmem:$0x3000] =	vst v63  }
0x199: {  	s25 =	sadd.s32 $0x10, s11;
	s26 =	simm.s32 $0x2100  }
0x19a: {  	[hbm4b:s25+s2] =	stream.linear.scatter [tilespmem:s26], [sflag:$0x2], $0x80, $0x38;
	[tilespmem:$0x3000] =	vst v63  }
0x19b: {  	s28 =	sadd.s32 $0x20, s11;
	s29 =	simm.s32 $0x2200  }
0x19c: {  	[hbm4b:s28+s2] =	stream.linear.scatter [tilespmem:s29], [sflag:$0x2], $0x80, $0x38;
	[tilespmem:$0x3000] =	vst v63  }
0x19d: {  	s25 =	sadd.s32 $0x30, s11;
	s26 =	simm.s32 $0x2300  }
0x19e: {  	[hbm4b:s25+s2] =	stream.linear.scatter [tilespmem:s26], [sflag:$0x2], $0x80, $0x38;
	[tilespmem:$0x3000] =	vst v63  }
0x19f: {  	s28 =	sadd.s32 $0x40, s11;
	s29 =	simm.s32 $0x2400  }
0x1a0: {  	[hbm4b:s28+s2] =	stream.linear.scatter [tilespmem:s29], [sflag:$0x2], $0x80, $0x38;
	[tilespmem:$0x3000] =	vst v63  }
0x1a1: {  	s25 =	sadd.s32 $0x50, s11;
	s26 =	simm.s32 $0x2500  }
0x1a2: {  	[hbm4b:s25+s2] =	stream.linear.scatter [tilespmem:s26], [sflag:$0x2], $0x80, $0x38;
	[tilespmem:$0x3000] =	vst v63  }
0x1a3: {  	s28 =	sadd.s32 $0x60, s11;
	s29 =	simm.s32 $0x2600  }
0x1a4: {  	[hbm4b:s28+s2] =	stream.linear.scatter [tilespmem:s29], [sflag:$0x2], $0x80, $0x38;
	[tilespmem:$0x3000] =	vst v63  }
0x1a5: {  	s24 =	sadd.s32 $0x70, s11;
	s25 =	simm.s32 $0x2700  }
0x1a6: {  	[hbm4b:s24+s2] =	stream.linear.scatter [tilespmem:s25], [sflag:$0x2], $0x80, $0x38;
	[tilespmem:$0x3000] =	vst v63  }
0x1a7: {  	s26 =	simm.s32 $0x2080  }
0x1a8: {  	[hbm4b:s12+s2] =	stream.linear.scatter [tilespmem:s26], [sflag:$0x2], $0x80, $0x38;
	[tilespmem:$0x3000] =	vst v63  }
0x1a9: {  	s28 =	sadd.s32 $0x10, s12;
	s29 =	simm.s32 $0x2180  }
0x1aa: {  	[hbm4b:s28+s2] =	stream.linear.scatter [tilespmem:s29], [sflag:$0x2], $0x80, $0x38;
	[tilespmem:$0x3000] =	vst v63  }
0x1ab: {  	s25 =	sadd.s32 $0x20, s12;
	s26 =	simm.s32 $0x2280  }
0x1ac: {  	[hbm4b:s25+s2] =	stream.linear.scatter [tilespmem:s26], [sflag:$0x2], $0x80, $0x38;
	[tilespmem:$0x3000] =	vst v63  }
0x1ad: {  	s28 =	sadd.s32 $0x30, s12;
	s29 =	simm.s32 $0x2380  }
0x1ae: {  	[hbm4b:s28+s2] =	stream.linear.scatter [tilespmem:s29], [sflag:$0x2], $0x80, $0x38;
	[tilespmem:$0x3000] =	vst v63  }
0x1af: {  	s25 =	sadd.s32 $0x40, s12;
	s26 =	simm.s32 $0x2480  }
0x1b0: {  	[hbm4b:s25+s2] =	stream.linear.scatter [tilespmem:s26], [sflag:$0x2], $0x80, $0x38;
	[tilespmem:$0x3000] =	vst v63  }
0x1b1: {  	s28 =	sadd.s32 $0x50, s12;
	s29 =	simm.s32 $0x2580  }
0x1b2: {  	[hbm4b:s28+s2] =	stream.linear.scatter [tilespmem:s29], [sflag:$0x2], $0x80, $0x38;
	[tilespmem:$0x3000] =	vst v63  }
0x1b3: {  	s25 =	sadd.s32 $0x60, s12;
	s26 =	simm.s32 $0x2680  }
0x1b4: {  	[hbm4b:s25+s2] =	stream.linear.scatter [tilespmem:s26], [sflag:$0x2], $0x80, $0x38;
	[tilespmem:$0x3000] =	vst v63  }
0x1b5: {  	s28 =	sadd.s32 $0x70, s12;
	s29 =	simm.s32 $0x2780  }
0x1b6: {  	[hbm4b:s28+s2] =	stream.linear.scatter [tilespmem:s29], [sflag:$0x2], $0x80, $0x38;
	[tilespmem:$0x3000] =	vst v63  }
0x1b7: {  	s24 =	simm.s32 $0x2800  }
0x1b8: {  	[hbm4b:s13+s2] =	stream.linear.scatter [tilespmem:s24], [sflag:$0x2], $0x80, $0x38;
	[tilespmem:$0x3000] =	vst v63  }
0x1b9: {  	s25 =	sadd.s32 $0x10, s13;
	s26 =	simm.s32 $0x2900  }
0x1ba: {  	[hbm4b:s25+s2] =	stream.linear.scatter [tilespmem:s26], [sflag:$0x2], $0x80, $0x38;
	[tilespmem:$0x3000] =	vst v63  }
0x1bb: {  	s28 =	sadd.s32 $0x20, s13;
	s29 =	simm.s32 $0x2A00  }
0x1bc: {  	[hbm4b:s28+s2] =	stream.linear.scatter [tilespmem:s29], [sflag:$0x2], $0x80, $0x38;
	[tilespmem:$0x3000] =	vst v63  }
0x1bd: {  	s25 =	sadd.s32 $0x30, s13;
	s26 =	simm.s32 $0x2B00  }
0x1be: {  	[hbm4b:s25+s2] =	stream.linear.scatter [tilespmem:s26], [sflag:$0x2], $0x80, $0x38;
	[tilespmem:$0x3000] =	vst v63  }
0x1bf: {  	s28 =	sadd.s32 $0x40, s13;
	s29 =	simm.s32 $0x2C00  }
0x1c0: {  	[hbm4b:s28+s2] =	stream.linear.scatter [tilespmem:s29], [sflag:$0x2], $0x80, $0x38;
	[tilespmem:$0x3000] =	vst v63  }
0x1c1: {  	s25 =	sadd.s32 $0x50, s13;
	s26 =	simm.s32 $0x2D00  }
0x1c2: {  	[hbm4b:s25+s2] =	stream.linear.scatter [tilespmem:s26], [sflag:$0x2], $0x80, $0x38;
	[tilespmem:$0x3000] =	vst v63  }
0x1c3: {  	s28 =	sadd.s32 $0x60, s13;
	s29 =	simm.s32 $0x2E00  }
0x1c4: {  	[hbm4b:s28+s2] =	stream.linear.scatter [tilespmem:s29], [sflag:$0x2], $0x80, $0x38;
	[tilespmem:$0x3000] =	vst v63  }
0x1c5: {  	s24 =	sadd.s32 $0x70, s13;
	s25 =	simm.s32 $0x2F00  }
0x1c6: {  	[hbm4b:s24+s2] =	stream.linear.scatter [tilespmem:s25], [sflag:$0x2], $0x80, $0x38;
	[tilespmem:$0x3000] =	vst v63  }
0x1c7: {  	s26 =	simm.s32 $0x2880  }
0x1c8: {  	[hbm4b:s14+s2] =	stream.linear.scatter [tilespmem:s26], [sflag:$0x2], $0x80, $0x38;
	[tilespmem:$0x3000] =	vst v63  }
0x1c9: {  	s28 =	sadd.s32 $0x10, s14;
	s29 =	simm.s32 $0x2980  }
0x1ca: {  	[hbm4b:s28+s2] =	stream.linear.scatter [tilespmem:s29], [sflag:$0x2], $0x80, $0x38;
	[tilespmem:$0x3000] =	vst v63  }
0x1cb: {  	s25 =	sadd.s32 $0x20, s14;
	s26 =	simm.s32 $0x2A80  }
0x1cc: {  	[hbm4b:s25+s2] =	stream.linear.scatter [tilespmem:s26], [sflag:$0x2], $0x80, $0x38;
	[tilespmem:$0x3000] =	vst v63  }
0x1cd: {  	s28 =	sadd.s32 $0x30, s14;
	s29 =	simm.s32 $0x2B80  }
0x1ce: {  	[hbm4b:s28+s2] =	stream.linear.scatter [tilespmem:s29], [sflag:$0x2], $0x80, $0x38;
	[tilespmem:$0x3000] =	vst v63  }
0x1cf: {  	s25 =	sadd.s32 $0x40, s14;
	s26 =	simm.s32 $0x2C80  }
0x1d0: {  	[hbm4b:s25+s2] =	stream.linear.scatter [tilespmem:s26], [sflag:$0x2], $0x80, $0x38;
	[tilespmem:$0x3000] =	vst v63  }
0x1d1: {  	s28 =	sadd.s32 $0x50, s14;
	s29 =	simm.s32 $0x2D80  }
0x1d2: {  	[hbm4b:s28+s2] =	stream.linear.scatter [tilespmem:s29], [sflag:$0x2], $0x80, $0x38;
	[tilespmem:$0x3000] =	vst v63  }
0x1d3: {  	s24 =	sadd.s32 $0x60, s14;
	s25 =	simm.s32 $0x2E80  }
0x1d4: {  	[hbm4b:s24+s2] =	stream.linear.scatter [tilespmem:s25], [sflag:$0x2], $0x80, $0x38;
	[tilespmem:$0x3000] =	vst v63  }
0x1d5: {  	s26 =	sadd.s32 $0x70, s14;
	s28 =	simm.s32 $0x2F80  }
0x1d6: {  	[hbm4b:s26+s2] =	stream.linear.scatter [tilespmem:s28], [sflag:$0x2], $0x80, $0x38;
	[tilespmem:$0x3000] =	vst v63  }
0x1d7: {  	_ =	swait.ge [sflag:s21], $0x400  }
0x1d8: {  	[sflag:s21] =	ssyncset.done $0x0  }
0x1d9: {  	[sflag:s21] =	ssyncadd.s32 $0xFFFFFC00  }
0x1da: {  	_ =	swait.ge [sflag:s21], $0x400  }
0x1db: {  	[sflag:s21] =	ssyncset.done $0x0  }
0x1dc: {  	[sflag:s21] =	ssyncadd.s32 $0xFFFFFC00  }
0x1dd: {  	_ =	swait.ge [sflag:s21], $0x400  }
0x1de: {  	[sflag:s21] =	ssyncset.done $0x0  }
0x1df: {  	[sflag:s21] =	ssyncadd.s32 $0xFFFFFC00  }
0x1e0: {  	_ =	swait.ge [sflag:s21], $0x400  }
0x1e1: {  	s22 =	sadd.s32 $0x1, s22;
	s29 =	rddreg [dreg:$0xb]  }
0x1e2: {  	p0 =	sne.s32 s22, s29  }
.Ltmp1:
0x1e3: {  	_ = 	snop;
	(pc) =	sbr.rel @p0 .LBB2_1-.Ltmp1, $3  }
0x1e4: {  	_ =	sdelay $0x1  }
0x1e5: {  	[sflag:s21] =	ssyncset.done $0x0  }
0x1e6: {  	[sflag:s21] =	ssyncadd.s32 $0xFFFFFC00  }
0x1e7: {  	_ =	sfence.sel $0x180000  }
0x1e8: {  	[bflag:$0x0] =	sbarrier.arrive $0xFFFF  }
0x1e9: {  	_ =	strace $0x90000047  }
0x1ea: {  	s0 =	stileid.u32;
	[bflag:$0x2] =	sbarrier.arrive $0xFFFF  }
0x1eb: {  	p0 =	sne.s32 s0, $0x0;
	s0 =	rddreg [dreg:$0x2]  }
0x1ec: {  	s0 =	sadd.s32 @!p0 $0x100000, s0  }
0x1ed: {  	[sflag:s0] =	ssyncadd.tile.s32 @!p0 $0x1;
	_ =	shalt  }
.Lfunc_end2:
_tile_overlayer_lowered:
.L_overlay_start_2:
0x1ee: {  	(tag) =	ssettag $0x2  }
0x1ef: {  	s0 =	rddreg [dreg:$0x0];
	s2 =	stileid.u32  }
0x1f0: {  	s1 =	rddreg [dreg:$0x1];
	p0 =	sne.s32 s2, $0x0  }
0x1f1: {  	s3 =	rddreg [dreg:$0x2];
	[bflag:$0x3] =	sbarrier.arrive $0xFFFF;
	s2 =	simm.s32 @!p0 $0x1C03  }
0x1f2: {  	[timem:s3], [sflag:s2] =	dma.local @!p0 [hbm:s0], s1  }
0x1f3: {  	s0 =	simm.s32 @!p0 $0x3  }
0x1f4: {  	_ =	swait.ge @!p0 [sflag:s0], s1  }
0x1f5: {  	s1 =	ssub.s32 @!p0 $0x0, s1;
	[sflag:s0] =	ssyncset.done @!p0 $0x0  }
0x1f6: {  	[sflag:s0] =	ssyncadd.s32 @!p0 s1  }
0x1f7: {  	[bflag:$0x3] =	sbarrier.arrive $0xFFFF  }
0x1f8: {  	_ =	shalt  }

</sc_bundles>
